<compile_context>
chip_gen: v7x
topology: tpu7x:2x2x1
jax: 0.10.2.dev20260603
libtpu: 0.0.44.dev20260713+nightly
codegen_flags: <defaults>
</compile_context>

<pallas_src>
import functools

import jax
import jax.numpy as jnp
from jax.experimental import pallas as pl
from jax.experimental.pallas import tpu as pltpu

_CS = 512
_TN = 2000
_G = 64
_LANES = 128


def _transform_krn(x_ref, wr_ref, o_ref):
    o_ref[0] = jnp.dot(x_ref[...], wr_ref[0], preferred_element_type=jnp.float32)


def _root_krn(x_ref, w_ref, b_ref, o_ref):
    o_ref[...] = (
        jnp.dot(x_ref[...], w_ref[...], preferred_element_type=jnp.float32)
        + b_ref[...]
    )


def _count_krn(nch, dst_ref, et_ref, w0_ref, cnt_ref):
    c = pl.program_id(0)

    @pl.when(c == 0)
    def _():
        cnt_ref[...] = jnp.zeros_like(cnt_ref)

    lanes = jax.lax.broadcasted_iota(jnp.int32, (1, _LANES), 1)

    def body(i, _):
        d = dst_ref[0, 0, i]
        t = et_ref[0, 0, i]
        w0 = w0_ref[0, 0, i]
        row = cnt_ref[pl.ds(d, 1), :]
        cnt_ref[pl.ds(d, 1), :] = row + jnp.where(lanes == t, w0, 0.0)
        return 0

    jax.lax.fori_loop(0, _CS, body, 0)


def _scatter_krn(nch, rel_ref, hall_ref, out0_ref, cnt_ref, src_ref, dst_ref,
                 et_ref, w0_ref, out_ref):
    c = pl.program_id(0)

    @pl.when(c == 0)
    def _():
        out_ref[...] = out0_ref[...]

    lanes = jax.lax.broadcasted_iota(jnp.int32, (1, _LANES), 1)

    def body(i, _):
        s = src_ref[0, 0, i]
        d = dst_ref[0, 0, i]
        t = et_ref[0, 0, i]
        w0 = w0_ref[0, 0, i]
        crow = cnt_ref[pl.ds(d, 1), :]
        cv = jnp.sum(jnp.where(lanes == t, crow, 0.0))
        w = w0 / jnp.maximum(cv, 1.0)
        out_ref[pl.ds(d, 1), :] = (
            out_ref[pl.ds(d, 1), :] + hall_ref[0, pl.ds(s, 1), :] * w
        )
        return 0

    jax.lax.fori_loop(0, _CS, body, 0)

    @pl.when(c == nch - 1)
    def _():
        out_ref[...] = jnp.maximum(out_ref[...], 0.0)


def _pool_krn(h_ref, b_ref, p_ref):
    g = pl.program_id(0)
    mask = b_ref[:, 0:1] == g
    p_ref[pl.ds(g, 1), :] = jnp.max(
        jnp.where(mask, h_ref[...], -jnp.inf), axis=0, keepdims=True
    )


def _transform(x, Wr):
    R, F, H = Wr.shape
    N = x.shape[0]
    return pl.pallas_call(
        _transform_krn,
        grid=(R, N // _TN),
        in_specs=[
            pl.BlockSpec((_TN, F), lambda r, n: (n, 0)),
            pl.BlockSpec((1, F, H), lambda r, n: (r, 0, 0)),
        ],
        out_specs=pl.BlockSpec((1, _TN, H), lambda r, n: (r, n, 0)),
        out_shape=jax.ShapeDtypeStruct((R, N, H), jnp.float32),
    )(x, Wr)


def _root(x, Wroot, b):
    N = x.shape[0]
    H = Wroot.shape[1]
    return pl.pallas_call(
        _root_krn,
        out_shape=jax.ShapeDtypeStruct((N, H), jnp.float32),
    )(x, Wroot, b.reshape(1, H))


def _count(N, nch, dst_c, et_c, w0_c):
    smem = pl.BlockSpec((1, 1, _CS), lambda c: (c, 0, 0),
                        memory_space=pltpu.SMEM)
    return pl.pallas_call(
        functools.partial(_count_krn, nch),
        grid=(nch,),
        in_specs=[smem, smem, smem],
        out_specs=pl.BlockSpec((N, _LANES), lambda c: (0, 0)),
        out_shape=jax.ShapeDtypeStruct((N, _LANES), jnp.float32),
    )(dst_c, et_c, w0_c)


def _scatter(nch, rel_map, h_all, out0, cnt, src_c, dst_c, et_c, w0_c):
    R, N, H = h_all.shape
    smem = pl.BlockSpec((1, 1, _CS), lambda c, rm: (c, 0, 0),
                        memory_space=pltpu.SMEM)
    grid_spec = pltpu.PrefetchScalarGridSpec(
        num_scalar_prefetch=1,
        grid=(nch,),
        in_specs=[
            pl.BlockSpec((1, N, H), lambda c, rm: (rm[c], 0, 0)),
            pl.BlockSpec((N, H), lambda c, rm: (0, 0)),
            pl.BlockSpec((N, _LANES), lambda c, rm: (0, 0)),
            smem, smem, smem, smem,
        ],
        out_specs=pl.BlockSpec((N, H), lambda c, rm: (0, 0)),
    )
    return pl.pallas_call(
        functools.partial(_scatter_krn, nch),
        grid_spec=grid_spec,
        out_shape=jax.ShapeDtypeStruct((N, H), jnp.float32),
    )(rel_map, h_all, out0, cnt, src_c, dst_c, et_c, w0_c)


def _pool(h, batch2d):
    N, H = h.shape
    return pl.pallas_call(
        _pool_krn,
        grid=(_G,),
        in_specs=[
            pl.BlockSpec((N, H), lambda g: (0, 0)),
            pl.BlockSpec((N, _LANES), lambda g: (0, 0)),
        ],
        out_specs=pl.BlockSpec((_G, H), lambda g: (0, 0)),
        out_shape=jax.ShapeDtypeStruct((_G, H), jnp.float32),
    )(h, batch2d)


def kernel(x, edge_index, edge_type, batch, Wr1, Wroot1, b1, Wr2, Wroot2, b2):
    N, F = x.shape
    E = edge_type.shape[0]
    R = Wr1.shape[0]
    nch = -(-E // _CS) + R
    EP = nch * _CS

    order = jnp.argsort(edge_type)
    et_s = edge_type[order]
    src_s = edge_index[0][order]
    dst_s = edge_index[1][order]

    rel_ids = jnp.arange(R, dtype=jnp.int32)
    cnt_r = jnp.sum(et_s[None, :] == rel_ids[:, None], axis=1).astype(jnp.int32)
    chunks_r = (cnt_r + _CS - 1) // _CS
    pad_chunk_start = jnp.concatenate(
        [jnp.zeros((1,), jnp.int32), jnp.cumsum(chunks_r)]
    )
    pad_start = pad_chunk_start[:-1] * _CS
    first_sorted = jnp.concatenate(
        [jnp.zeros((1,), jnp.int32), jnp.cumsum(cnt_r)]
    )[:-1]
    pos = pad_start[et_s] + (jnp.arange(E, dtype=jnp.int32) - first_sorted[et_s])

    src_c = jnp.zeros((EP,), jnp.int32).at[pos].set(src_s).reshape(nch, 1, _CS)
    dst_c = jnp.zeros((EP,), jnp.int32).at[pos].set(dst_s).reshape(nch, 1, _CS)
    et_c = jnp.zeros((EP,), jnp.int32).at[pos].set(et_s).reshape(nch, 1, _CS)
    w0_c = (
        jnp.zeros((EP,), jnp.float32).at[pos].set(1.0).reshape(nch, 1, _CS)
    )
    rel_map = jnp.clip(
        jnp.searchsorted(pad_chunk_start[1:], jnp.arange(nch, dtype=jnp.int32),
                         side="right"),
        0, R - 1,
    ).astype(jnp.int32)

    cnt = _count(N, nch, dst_c, et_c, w0_c)

    h_all1 = _transform(x, Wr1)
    out01 = _root(x, Wroot1, b1)
    h1 = _scatter(nch, rel_map, h_all1, out01, cnt, src_c, dst_c, et_c, w0_c)

    h_all2 = _transform(h1, Wr2)
    out02 = _root(h1, Wroot2, b2)
    h2 = _scatter(nch, rel_map, h_all2, out02, cnt, src_c, dst_c, et_c, w0_c)

    batch2d = jnp.broadcast_to(
        batch.astype(jnp.int32)[:, None], (N, _LANES)
    )
    pooled = _pool(h2, batch2d)
    return (h2, pooled)

# --- scband reference (transcript-rebuilt; emitter-appended) ---
"""Pipeline reference for scband-global-learning-unit-27049704030599 (READ-ONLY COPY).

The authoritative reference and input builder live on the scoring server;
editing this copy changes nothing except your own understanding.
"""

import jax, jax.numpy as jnp
import numpy as np

N = 10000
E = 160000
F_IN = 256
H = 256
R = 8
G = 64


def setup_inputs(seed: int = 0) -> dict:
    key = jax.random.key(seed)
    ks = jax.random.split(key, 12)
    x = jax.random.normal(ks[0], (N, F_IN), dtype=jnp.float32)
    edge_index = jax.random.randint(ks[1], (2, E), 0, N, dtype=jnp.int32)
    edge_type = jax.random.randint(ks[2], (E,), 0, R, dtype=jnp.int32)
    batch = jnp.sort(jax.random.randint(ks[3], (N,), 0, G, dtype=jnp.int32))
    s1 = 1.0 / np.sqrt(F_IN)
    s2 = 1.0 / np.sqrt(H)
    Wr1 = jax.random.normal(ks[4], (R, F_IN, H), dtype=jnp.float32) * s1
    Wroot1 = jax.random.normal(ks[5], (F_IN, H), dtype=jnp.float32) * s1
    b1 = jnp.zeros((H,), dtype=jnp.float32)
    Wr2 = jax.random.normal(ks[6], (R, H, H), dtype=jnp.float32) * s2
    Wroot2 = jax.random.normal(ks[7], (H, H), dtype=jnp.float32) * s2
    b2 = jnp.zeros((H,), dtype=jnp.float32)
    return {"x": x, "edge_index": edge_index, "edge_type": edge_type, "batch": batch,
            "Wr1": Wr1, "Wroot1": Wroot1, "b1": b1,
            "Wr2": Wr2, "Wroot2": Wroot2, "b2": b2}


def _rgcn_layer(x, edge_index, edge_type, Wr, Wroot, b):
    # PyG RGCNConv semantics: out_i = W_root x_i + b + sum_r (1/|N_r(i)|) sum_{j in N_r(i)} W_r x_j
    src = edge_index[0]
    dst = edge_index[1]
    n = x.shape[0]
    # per-relation dense transform of all nodes: [R, N, H]
    h_all = jnp.einsum('nf,rfh->rnh', x, Wr)
    # gather per-edge message m_e = W_{type_e} x_{src_e}
    msg = h_all[edge_type, src]  # [E, H]
    # mean normalization per (dst, relation): count edges of relation r into node i
    key_dr = dst * R + edge_type
    cnt = jnp.zeros((n * R,), dtype=x.dtype).at[key_dr].add(1.0)
    norm = 1.0 / jnp.maximum(cnt[key_dr], 1.0)
    out = x @ Wroot + b
    out = out.at[dst].add(msg * norm[:, None])
    return out


def reference(x, edge_index, edge_type, batch, Wr1, Wroot1, b1, Wr2, Wroot2, b2):
    # eval mode: dropout layers are identity
    h = jax.nn.relu(_rgcn_layer(x, edge_index, edge_type, Wr1, Wroot1, b1))
    h = jax.nn.relu(_rgcn_layer(h, edge_index, edge_type, Wr2, Wroot2, b2))
    # global_max_pool over graph assignment ids
    pooled = jax.ops.segment_max(h, batch, num_segments=G)
    return (h, pooled)

if __name__ == "__main__":
    import jax
    _d = setup_inputs()
    print(jax.jit(kernel)(*tuple(_d.values())))

</pallas_src>

<mosaic_0001>
module attributes {stable_mosaic.version = 14 : i64} {
  func.func @_transform_krn(%arg0: i32, %arg1: i32, %arg2: memref<2000x256xf32, #tpu.memory_space<vmem>>, %arg3: memref<1x256x256xf32, #tpu.memory_space<vmem>>, %arg4: memref<1x2000x256xf32, #tpu.memory_space<vmem>>) attributes {dimension_semantics = [#tpu.dimension_semantics<arbitrary>, #tpu.dimension_semantics<arbitrary>], iteration_bounds = array<i64: 8, 5>, scalar_prefetch = 0 : i64, scratch_operands = 0 : i64, tpu.core_type = #tpu.core_type<tc>, window_params = [{transform_indices = @transform_0, window_bounds = array<i64: 2000, 256>}, {transform_indices = @transform_1, window_bounds = array<i64: 1, 256, 256>}, {transform_indices = @transform_2, window_bounds = array<i64: 1, 2000, 256>}]} {
    %get3A = arith.constant 0 : index
    %get3A_0 = arith.constant 0 : index
    %get3A_1 = vector.load %arg2[%get3A, %get3A_0] : memref<2000x256xf32, #tpu.memory_space<vmem>>, vector<2000x256xf32>
    %get3A_2 = arith.constant 0 : index
    %get3A_3 = arith.constant 0 : index
    %get3A_4 = arith.constant 0 : index
    %get3A_5 = vector.load %arg3[%get3A_2, %get3A_3, %get3A_4] : memref<1x256x256xf32, #tpu.memory_space<vmem>>, vector<1x256x256xf32>
    %get3A_6 = vector.shape_cast %get3A_5 : vector<1x256x256xf32> to vector<256x256xf32>
    %dot_general3A = arith.constant dense<0.000000e+00> : vector<2000x256xf32>
    %dot_general3A_7 = tpu.matmul %get3A_1, %get3A_6, %dot_general3A {dimension_numbers = #tpu.dot_dimension_numbers<[1], [0], [0], [1], [0, 0, 1, 1], [], []>, transpose_lhs_hint = false} : vector<2000x256xf32>, vector<256x256xf32>, vector<2000x256xf32> -> vector<2000x256xf32>
    %swap3A = arith.constant 0 : index
    %swap3A_8 = arith.constant 0 : index
    %swap3A_9 = arith.constant 0 : index
    %swap3A_10 = vector.load %arg4[%swap3A, %swap3A_8, %swap3A_9] : memref<1x2000x256xf32, #tpu.memory_space<vmem>>, vector<1x2000x256xf32>
    %swap3A_11 = vector.shape_cast %swap3A_10 : vector<1x2000x256xf32> to vector<2000x256xf32>
    %swap3A_12 = vector.shape_cast %dot_general3A_7 : vector<2000x256xf32> to vector<1x2000x256xf32>
    tpu.vector_store %arg4[%swap3A, %swap3A_8, %swap3A_9], %swap3A_12 {strides = array<i32>} : memref<1x2000x256xf32, #tpu.memory_space<vmem>>, vector<1x2000x256xf32>,
    return
  }
  func.func @transform_0(%arg0: i32, %arg1: i32) -> (i32, i32) {
    %c0_i32 = arith.constant 0 : i32
    %c0_i32_0 = arith.constant 0 : i32
    return %arg1, %c0_i32 : i32, i32
  }
  func.func @transform_1(%arg0: i32, %arg1: i32) -> (i32, i32, i32) {
    %c0_i32 = arith.constant 0 : i32
    %c0_i32_0 = arith.constant 0 : i32
    %c0_i32_1 = arith.constant 0 : i32
    return %arg0, %c0_i32, %c0_i32_0 : i32, i32, i32
  }
  func.func @transform_2(%arg0: i32, %arg1: i32) -> (i32, i32, i32) {
    %c0_i32 = arith.constant 0 : i32
    %c0_i32_0 = arith.constant 0 : i32
    return %arg0, %arg1, %c0_i32 : i32, i32, i32
  }
}

module attributes {stable_mosaic.version = 14 : i64} {
  func.func @_root_krn(%arg0: memref<10000x256xf32, #tpu.memory_space<vmem>>, %arg1: memref<256x256xf32, #tpu.memory_space<vmem>>, %arg2: memref<1x256xf32, #tpu.memory_space<vmem>>, %arg3: memref<10000x256xf32, #tpu.memory_space<vmem>>) attributes {dimension_semantics = [], scalar_prefetch = 0 : i64, scratch_operands = 0 : i64, tpu.core_type = #tpu.core_type<tc>} {
    %get3A = arith.constant 0 : index
    %get3A_0 = arith.constant 0 : index
    %get3A_1 = vector.load %arg0[%get3A, %get3A_0] : memref<10000x256xf32, #tpu.memory_space<vmem>>, vector<10000x256xf32>
    %get3A_2 = arith.constant 0 : index
    %get3A_3 = arith.constant 0 : index
    %get3A_4 = vector.load %arg1[%get3A_2, %get3A_3] : memref<256x256xf32, #tpu.memory_space<vmem>>, vector<256x256xf32>
    %dot_general3A = arith.constant dense<0.000000e+00> : vector<10000x256xf32>
    %dot_general3A_5 = tpu.matmul %get3A_1, %get3A_4, %dot_general3A {dimension_numbers = #tpu.dot_dimension_numbers<[1], [0], [0], [1], [0, 0, 1, 1], [], []>, transpose_lhs_hint = false} : vector<10000x256xf32>, vector<256x256xf32>, vector<10000x256xf32> -> vector<10000x256xf32>
    %get3A_6 = arith.constant 0 : index
    %get3A_7 = arith.constant 0 : index
    %get3A_8 = vector.load %arg2[%get3A_6, %get3A_7] : memref<1x256xf32, #tpu.memory_space<vmem>>, vector<1x256xf32>
    %add3A = vector.broadcast %get3A_8 : vector<1x256xf32> to vector<10000x256xf32>
    %add3A_9 = arith.addf %dot_general3A_5, %add3A : vector<10000x256xf32>
    %swap3A = arith.constant 0 : index
    %swap3A_10 = arith.constant 0 : index
    %swap3A_11 = vector.load %arg3[%swap3A, %swap3A_10] : memref<10000x256xf32, #tpu.memory_space<vmem>>, vector<10000x256xf32>
    tpu.vector_store %arg3[%swap3A, %swap3A_10], %add3A_9 {strides = array<i32>} : memref<10000x256xf32, #tpu.memory_space<vmem>>, vector<10000x256xf32>,
    return
  }
}

module attributes {stable_mosaic.version = 14 : i64} {
  func.func @_count_krn(%arg0: i32, %arg1: memref<1x1x512xi32, #tpu.memory_space<smem>>, %arg2: memref<1x1x512xi32, #tpu.memory_space<smem>>, %arg3: memref<1x1x512xf32, #tpu.memory_space<smem>>, %arg4: memref<10000x128xf32, #tpu.memory_space<vmem>>) attributes {dimension_semantics = [#tpu.dimension_semantics<arbitrary>], iteration_bounds = array<i64: 321>, scalar_prefetch = 0 : i64, scratch_operands = 0 : i64, tpu.core_type = #tpu.core_type<tc>, window_params = [{transform_indices = @transform_0, window_bounds = array<i64: 1, 1, 512>}, {transform_indices = @transform_1, window_bounds = array<i64: 1, 1, 512>}, {transform_indices = @transform_2, window_bounds = array<i64: 1, 1, 512>}, {pipeline_mode = #tpu.pipeline_mode<synchronous>, transform_indices = @transform_3, window_bounds = array<i64: 10000, 128>}]} {
    %eq3A = arith.constant 0 : i32
    %eq3A_0 = arith.cmpi eq, %arg0, %eq3A : i32
    %convert_element_type3A = arith.extui %eq3A_0 : i1 to i32
    %cond3A = arith.constant 0 : i32
    %cond3A_1 = arith.cmpi ne, %convert_element_type3A, %cond3A : i32
    scf.if %cond3A_1 {
      %broadcast_in_dim3A = arith.constant 0.000000e+00 : f32
      %broadcast_in_dim3A_6 = vector.broadcast %broadcast_in_dim3A : f32 to vector<10000x128xf32>
      %swap3A = arith.constant 0 : index
      %swap3A_7 = arith.constant 0 : index
      %swap3A_8 = vector.load %arg4[%swap3A, %swap3A_7] : memref<10000x128xf32, #tpu.memory_space<vmem>>, vector<10000x128xf32>
      tpu.vector_store %arg4[%swap3A, %swap3A_7], %broadcast_in_dim3A_6 {strides = array<i32>} : memref<10000x128xf32, #tpu.memory_space<vmem>>, vector<10000x128xf32>,
    } else {
    }
    %iota3A = tpu.iota {dimensions = array<i32: 1>} : vector<1x128xi32>
    %scan3A = arith.constant 0 : i32
    %scan3A_2 = arith.constant 512 : i32
    %scan3A_3 = arith.addi %scan3A, %scan3A_2 : i32
    %scan3A_4 = arith.constant 1 : i32
    scf.for %scan3A_6 = %scan3A to %scan3A_3 step %scan3A_4  : i32 {
      %get3A = arith.constant 0 : index
      %get3A_7 = arith.constant 0 : index
      %get3A_8 = arith.index_cast %scan3A_6 : i32 to index
      %get3A_9 = memref.load %arg1[%get3A, %get3A_7, %get3A_8] : memref<1x1x512xi32, #tpu.memory_space<smem>>
      %get3A_10 = arith.constant 0 : index
      %get3A_11 = arith.constant 0 : index
      %get3A_12 = arith.index_cast %scan3A_6 : i32 to index
      %get3A_13 = memref.load %arg2[%get3A_10, %get3A_11, %get3A_12] : memref<1x1x512xi32, #tpu.memory_space<smem>>
      %get3A_14 = arith.constant 0 : index
      %get3A_15 = arith.constant 0 : index
      %get3A_16 = arith.index_cast %scan3A_6 : i32 to index
      %get3A_17 = memref.load %arg3[%get3A_14, %get3A_15, %get3A_16] : memref<1x1x512xf32, #tpu.memory_space<smem>>
      %get3A_18 = arith.index_cast %get3A_9 : i32 to index
      %get3A_19 = arith.constant 0 : index
      %get3A_20 = vector.load %arg4[%get3A_18, %get3A_19] : memref<10000x128xf32, #tpu.memory_space<vmem>>, vector<1x128xf32>
      %eq3A_21 = vector.broadcast %get3A_13 : i32 to vector<1x128xi32>
      %eq3A_22 = arith.cmpi eq, %iota3A, %eq3A_21 : vector<1x128xi32>
      %jit3A = arith.constant 0.000000e+00 : f32
      %broadcast_in_dim3A = vector.broadcast %get3A_17 : f32 to vector<1x128xf32>
      %broadcast_in_dim3A_23 = vector.broadcast %jit3A : f32 to vector<1x128xf32>
      %select_n3A = arith.select %eq3A_22, %broadcast_in_dim3A, %broadcast_in_dim3A_23 : vector<1x128xi1>, vector<1x128xf32>
      %add3A = arith.addf %get3A_20, %select_n3A : vector<1x128xf32>
      %swap3A = arith.index_cast %get3A_9 : i32 to index
      %swap3A_24 = arith.constant 0 : index
      %swap3A_25 = vector.load %arg4[%swap3A, %swap3A_24] : memref<10000x128xf32, #tpu.memory_space<vmem>>, vector<1x128xf32>
      tpu.vector_store %arg4[%swap3A, %swap3A_24], %add3A {strides = array<i32>} : memref<10000x128xf32, #tpu.memory_space<vmem>>, vector<1x128xf32>,
    }
    %scan3A_5 = arith.constant 512 : i32
    return
  }
  func.func @transform_0(%arg0: i32) -> (i32, i32, i32) {
    %c0_i32 = arith.constant 0 : i32
    %c0_i32_0 = arith.constant 0 : i32
    %c0_i32_1 = arith.constant 0 : i32
    return %arg0, %c0_i32, %c0_i32_0 : i32, i32, i32
  }
  func.func @transform_1(%arg0: i32) -> (i32, i32, i32) {
    %c0_i32 = arith.constant 0 : i32
    %c0_i32_0 = arith.constant 0 : i32
    %c0_i32_1 = arith.constant 0 : i32
    return %arg0, %c0_i32, %c0_i32_0 : i32, i32, i32
  }
  func.func @transform_2(%arg0: i32) -> (i32, i32, i32) {
    %c0_i32 = arith.constant 0 : i32
    %c0_i32_0 = arith.constant 0 : i32
    %c0_i32_1 = arith.constant 0 : i32
    return %arg0, %c0_i32, %c0_i32_0 : i32, i32, i32
  }
  func.func @transform_3(%arg0: i32) -> (i32, i32) {
    %c0_i32 = arith.constant 0 : i32
    %c0_i32_0 = arith.constant 0 : i32
    %c0_i32_1 = arith.constant 0 : i32
    return %c0_i32, %c0_i32_0 : i32, i32
  }
}

module attributes {stable_mosaic.version = 14 : i64} {
  func.func @_scatter_krn(%arg0: i32, %arg1: memref<321xi32, #tpu.memory_space<smem>>, %arg2: memref<1x10000x256xf32, #tpu.memory_space<vmem>>, %arg3: memref<10000x256xf32, #tpu.memory_space<vmem>>, %arg4: memref<10000x128xf32, #tpu.memory_space<vmem>>, %arg5: memref<1x1x512xi32, #tpu.memory_space<smem>>, %arg6: memref<1x1x512xi32, #tpu.memory_space<smem>>, %arg7: memref<1x1x512xi32, #tpu.memory_space<smem>>, %arg8: memref<1x1x512xf32, #tpu.memory_space<smem>>, %arg9: memref<10000x256xf32, #tpu.memory_space<vmem>>) attributes {dimension_semantics = [#tpu.dimension_semantics<arbitrary>], iteration_bounds = array<i64: 321>, scalar_prefetch = 1 : i64, scratch_operands = 0 : i64, tpu.core_type = #tpu.core_type<tc>, window_params = [{transform_indices = @transform_0, window_bounds = array<i64: 1, 10000, 256>}, {pipeline_mode = #tpu.pipeline_mode<synchronous>, transform_indices = @transform_1, window_bounds = array<i64: 10000, 256>}, {pipeline_mode = #tpu.pipeline_mode<synchronous>, transform_indices = @transform_2, window_bounds = array<i64: 10000, 128>}, {transform_indices = @transform_3, window_bounds = array<i64: 1, 1, 512>}, {transform_indices = @transform_4, window_bounds = array<i64: 1, 1, 512>}, {transform_indices = @transform_5, window_bounds = array<i64: 1, 1, 512>}, {transform_indices = @transform_6, window_bounds = array<i64: 1, 1, 512>}, {pipeline_mode = #tpu.pipeline_mode<synchronous>, transform_indices = @transform_7, window_bounds = array<i64: 10000, 256>}]} {
    %eq3A = arith.constant 0 : i32
    %eq3A_0 = arith.cmpi eq, %arg0, %eq3A : i32
    %convert_element_type3A = arith.extui %eq3A_0 : i1 to i32
    %cond3A = arith.constant 0 : i32
    %cond3A_1 = arith.cmpi ne, %convert_element_type3A, %cond3A : i32
    scf.if %cond3A_1 {
      %get3A = arith.constant 0 : index
      %get3A_11 = arith.constant 0 : index
      %get3A_12 = vector.load %arg3[%get3A, %get3A_11] : memref<10000x256xf32, #tpu.memory_space<vmem>>, vector<10000x256xf32>
      %swap3A = arith.constant 0 : index
      %swap3A_13 = arith.constant 0 : index
      %swap3A_14 = vector.load %arg9[%swap3A, %swap3A_13] : memref<10000x256xf32, #tpu.memory_space<vmem>>, vector<10000x256xf32>
      tpu.vector_store %arg9[%swap3A, %swap3A_13], %get3A_12 {strides = array<i32>} : memref<10000x256xf32, #tpu.memory_space<vmem>>, vector<10000x256xf32>,
    } else {
    }
    %iota3A = tpu.iota {dimensions = array<i32: 1>} : vector<1x128xi32>
    %scan3A = arith.constant 0 : i32
    %scan3A_2 = arith.constant 512 : i32
    %scan3A_3 = arith.addi %scan3A, %scan3A_2 : i32
    %scan3A_4 = arith.constant 1 : i32
    scf.for %scan3A_11 = %scan3A to %scan3A_3 step %scan3A_4  : i32 {
      %get3A = arith.constant 0 : index
      %get3A_12 = arith.constant 0 : index
      %get3A_13 = arith.index_cast %scan3A_11 : i32 to index
      %get3A_14 = memref.load %arg5[%get3A, %get3A_12, %get3A_13] : memref<1x1x512xi32, #tpu.memory_space<smem>>
      %get3A_15 = arith.constant 0 : index
      %get3A_16 = arith.constant 0 : index
      %get3A_17 = arith.index_cast %scan3A_11 : i32 to index
      %get3A_18 = memref.load %arg6[%get3A_15, %get3A_16, %get3A_17] : memref<1x1x512xi32, #tpu.memory_space<smem>>
      %get3A_19 = arith.constant 0 : index
      %get3A_20 = arith.constant 0 : index
      %get3A_21 = arith.index_cast %scan3A_11 : i32 to index
      %get3A_22 = memref.load %arg7[%get3A_19, %get3A_20, %get3A_21] : memref<1x1x512xi32, #tpu.memory_space<smem>>
      %get3A_23 = arith.constant 0 : index
      %get3A_24 = arith.constant 0 : index
      %get3A_25 = arith.index_cast %scan3A_11 : i32 to index
      %get3A_26 = memref.load %arg8[%get3A_23, %get3A_24, %get3A_25] : memref<1x1x512xf32, #tpu.memory_space<smem>>
      %get3A_27 = arith.index_cast %get3A_18 : i32 to index
      %get3A_28 = arith.constant 0 : index
      %get3A_29 = vector.load %arg4[%get3A_27, %get3A_28] : memref<10000x128xf32, #tpu.memory_space<vmem>>, vector<1x128xf32>
      %eq3A_30 = vector.broadcast %get3A_22 : i32 to vector<1x128xi32>
      %eq3A_31 = arith.cmpi eq, %iota3A, %eq3A_30 : vector<1x128xi32>
      %jit3A = arith.constant 0.000000e+00 : f32
      %broadcast_in_dim3A = vector.broadcast %jit3A : f32 to vector<1x128xf32>
      %select_n3A = arith.select %eq3A_31, %get3A_29, %broadcast_in_dim3A : vector<1x128xi1>, vector<1x128xf32>
      %reduce_sum3A = vector.shape_cast %select_n3A : vector<1x128xf32> to vector<1x1x128xf32>
      %reduce_sum3A_32 = arith.constant dense<0.000000e+00> : vector<1xf32>
      %reduce_sum3A_33 = vector.multi_reduction <add>, %reduce_sum3A, %reduce_sum3A_32 [1, 2] : vector<1x1x128xf32> to vector<1xf32>
      %reduce_sum3A_34 = vector.shape_cast %reduce_sum3A_33 : vector<1xf32> to vector<1x1x1xf32>
      %reduce_sum3A_35 = vector.extract %reduce_sum3A_34[0, 0, 0] : f32 from vector<1x1x1xf32>
      %max3A = arith.constant 1.000000e+00 : f32
      %max3A_36 = arith.maximumf %reduce_sum3A_35, %max3A : f32
      %div3A = arith.divf %get3A_26, %max3A_36 : f32
      %get3A_37 = arith.index_cast %get3A_18 : i32 to index
      %get3A_38 = arith.constant 0 : index
      %get3A_39 = vector.load %arg9[%get3A_37, %get3A_38] : memref<10000x256xf32, #tpu.memory_space<vmem>>, vector<1x256xf32>
      %get3A_40 = arith.constant 0 : index
      %get3A_41 = arith.index_cast %get3A_14 : i32 to index
      %get3A_42 = arith.constant 0 : index
      %get3A_43 = vector.load %arg2[%get3A_40, %get3A_41, %get3A_42] : memref<1x10000x256xf32, #tpu.memory_space<vmem>>, vector<1x1x256xf32>
      %get3A_44 = vector.shape_cast %get3A_43 : vector<1x1x256xf32> to vector<1x256xf32>
      %mul3A = vector.broadcast %div3A : f32 to vector<1x256xf32>
      %mul3A_45 = arith.mulf %get3A_44, %mul3A : vector<1x256xf32>
      %add3A = arith.addf %get3A_39, %mul3A_45 : vector<1x256xf32>
      %swap3A = arith.index_cast %get3A_18 : i32 to index
      %swap3A_46 = arith.constant 0 : index
      %swap3A_47 = vector.load %arg9[%swap3A, %swap3A_46] : memref<10000x256xf32, #tpu.memory_space<vmem>>, vector<1x256xf32>
      tpu.vector_store %arg9[%swap3A, %swap3A_46], %add3A {strides = array<i32>} : memref<10000x256xf32, #tpu.memory_space<vmem>>, vector<1x256xf32>,
    }
    %scan3A_5 = arith.constant 512 : i32
    %eq3A_6 = arith.constant 320 : i32
    %eq3A_7 = arith.cmpi eq, %arg0, %eq3A_6 : i32
    %convert_element_type3A_8 = arith.extui %eq3A_7 : i1 to i32
    %cond3A_9 = arith.constant 0 : i32
    %cond3A_10 = arith.cmpi ne, %convert_element_type3A_8, %cond3A_9 : i32
    scf.if %cond3A_10 {
      %get3A = arith.constant 0 : index
      %get3A_11 = arith.constant 0 : index
      %get3A_12 = vector.load %arg9[%get3A, %get3A_11] : memref<10000x256xf32, #tpu.memory_space<vmem>>, vector<10000x256xf32>
      %max3A = arith.constant 0.000000e+00 : f32
      %max3A_13 = vector.broadcast %max3A : f32 to vector<10000x256xf32>
      %max3A_14 = arith.maximumf %get3A_12, %max3A_13 : vector<10000x256xf32>
      %swap3A = arith.constant 0 : index
      %swap3A_15 = arith.constant 0 : index
      %swap3A_16 = vector.load %arg9[%swap3A, %swap3A_15] : memref<10000x256xf32, #tpu.memory_space<vmem>>, vector<10000x256xf32>
      tpu.vector_store %arg9[%swap3A, %swap3A_15], %max3A_14 {strides = array<i32>} : memref<10000x256xf32, #tpu.memory_space<vmem>>, vector<10000x256xf32>,
    } else {
    }
    return
  }
  func.func @transform_0(%arg0: i32, %arg1: memref<321xi32, #tpu.memory_space<smem>>) -> (i32, i32, i32) {
    %get3A = arith.index_cast %arg0 : i32 to index
    %get3A_0 = memref.load %arg1[%get3A] : memref<321xi32, #tpu.memory_space<smem>>
    %c0_i32 = arith.constant 0 : i32
    %c0_i32_1 = arith.constant 0 : i32
    %c0_i32_2 = arith.constant 0 : i32
    return %get3A_0, %c0_i32, %c0_i32_1 : i32, i32, i32
  }
  func.func @transform_1(%arg0: i32, %arg1: memref<321xi32, #tpu.memory_space<smem>>) -> (i32, i32) {
    %c0_i32 = arith.constant 0 : i32
    %c0_i32_0 = arith.constant 0 : i32
    %c0_i32_1 = arith.constant 0 : i32
    return %c0_i32, %c0_i32_0 : i32, i32
  }
  func.func @transform_2(%arg0: i32, %arg1: memref<321xi32, #tpu.memory_space<smem>>) -> (i32, i32) {
    %c0_i32 = arith.constant 0 : i32
    %c0_i32_0 = arith.constant 0 : i32
    %c0_i32_1 = arith.constant 0 : i32
    return %c0_i32, %c0_i32_0 : i32, i32
  }
  func.func @transform_3(%arg0: i32, %arg1: memref<321xi32, #tpu.memory_space<smem>>) -> (i32, i32, i32) {
    %c0_i32 = arith.constant 0 : i32
    %c0_i32_0 = arith.constant 0 : i32
    %c0_i32_1 = arith.constant 0 : i32
    return %arg0, %c0_i32, %c0_i32_0 : i32, i32, i32
  }
  func.func @transform_4(%arg0: i32, %arg1: memref<321xi32, #tpu.memory_space<smem>>) -> (i32, i32, i32) {
    %c0_i32 = arith.constant 0 : i32
    %c0_i32_0 = arith.constant 0 : i32
    %c0_i32_1 = arith.constant 0 : i32
    return %arg0, %c0_i32, %c0_i32_0 : i32, i32, i32
  }
  func.func @transform_5(%arg0: i32, %arg1: memref<321xi32, #tpu.memory_space<smem>>) -> (i32, i32, i32) {
    %c0_i32 = arith.constant 0 : i32
    %c0_i32_0 = arith.constant 0 : i32
    %c0_i32_1 = arith.constant 0 : i32
    return %arg0, %c0_i32, %c0_i32_0 : i32, i32, i32
  }
  func.func @transform_6(%arg0: i32, %arg1: memref<321xi32, #tpu.memory_space<smem>>) -> (i32, i32, i32) {
    %c0_i32 = arith.constant 0 : i32
    %c0_i32_0 = arith.constant 0 : i32
    %c0_i32_1 = arith.constant 0 : i32
    return %arg0, %c0_i32, %c0_i32_0 : i32, i32, i32
  }
  func.func @transform_7(%arg0: i32, %arg1: memref<321xi32, #tpu.memory_space<smem>>) -> (i32, i32) {
    %c0_i32 = arith.constant 0 : i32
    %c0_i32_0 = arith.constant 0 : i32
    %c0_i32_1 = arith.constant 0 : i32
    return %c0_i32, %c0_i32_0 : i32, i32
  }
}

module attributes {stable_mosaic.version = 14 : i64} {
  func.func @_scatter_krn(%arg0: i32, %arg1: memref<321xi32, #tpu.memory_space<smem>>, %arg2: memref<1x10000x256xf32, #tpu.memory_space<vmem>>, %arg3: memref<10000x256xf32, #tpu.memory_space<vmem>>, %arg4: memref<10000x128xf32, #tpu.memory_space<vmem>>, %arg5: memref<1x1x512xi32, #tpu.memory_space<smem>>, %arg6: memref<1x1x512xi32, #tpu.memory_space<smem>>, %arg7: memref<1x1x512xi32, #tpu.memory_space<smem>>, %arg8: memref<1x1x512xf32, #tpu.memory_space<smem>>, %arg9: memref<10000x256xf32, #tpu.memory_space<vmem>>) attributes {dimension_semantics = [#tpu.dimension_semantics<arbitrary>], iteration_bounds = array<i64: 321>, scalar_prefetch = 1 : i64, scratch_operands = 0 : i64, tpu.core_type = #tpu.core_type<tc>, window_params = [{transform_indices = @transform_0, window_bounds = array<i64: 1, 10000, 256>}, {pipeline_mode = #tpu.pipeline_mode<synchronous>, transform_indices = @transform_1, window_bounds = array<i64: 10000, 256>}, {pipeline_mode = #tpu.pipeline_mode<synchronous>, transform_indices = @transform_2, window_bounds = array<i64: 10000, 128>}, {transform_indices = @transform_3, window_bounds = array<i64: 1, 1, 512>}, {transform_indices = @transform_4, window_bounds = array<i64: 1, 1, 512>}, {transform_indices = @transform_5, window_bounds = array<i64: 1, 1, 512>}, {transform_indices = @transform_6, window_bounds = array<i64: 1, 1, 512>}, {pipeline_mode = #tpu.pipeline_mode<synchronous>, transform_indices = @transform_7, window_bounds = array<i64: 10000, 256>}]} {
    %eq3A = arith.constant 0 : i32
    %eq3A_0 = arith.cmpi eq, %arg0, %eq3A : i32
    %convert_element_type3A = arith.extui %eq3A_0 : i1 to i32
    %cond3A = arith.constant 0 : i32
    %cond3A_1 = arith.cmpi ne, %convert_element_type3A, %cond3A : i32
    scf.if %cond3A_1 {
      %get3A = arith.constant 0 : index
      %get3A_11 = arith.constant 0 : index
      %get3A_12 = vector.load %arg3[%get3A, %get3A_11] : memref<10000x256xf32, #tpu.memory_space<vmem>>, vector<10000x256xf32>
      %swap3A = arith.constant 0 : index
      %swap3A_13 = arith.constant 0 : index
      %swap3A_14 = vector.load %arg9[%swap3A, %swap3A_13] : memref<10000x256xf32, #tpu.memory_space<vmem>>, vector<10000x256xf32>
      tpu.vector_store %arg9[%swap3A, %swap3A_13], %get3A_12 {strides = array<i32>} : memref<10000x256xf32, #tpu.memory_space<vmem>>, vector<10000x256xf32>,
    } else {
    }
    %iota3A = tpu.iota {dimensions = array<i32: 1>} : vector<1x128xi32>
    %scan3A = arith.constant 0 : i32
    %scan3A_2 = arith.constant 512 : i32
    %scan3A_3 = arith.addi %scan3A, %scan3A_2 : i32
    %scan3A_4 = arith.constant 1 : i32
    scf.for %scan3A_11 = %scan3A to %scan3A_3 step %scan3A_4  : i32 {
      %get3A = arith.constant 0 : index
      %get3A_12 = arith.constant 0 : index
      %get3A_13 = arith.index_cast %scan3A_11 : i32 to index
      %get3A_14 = memref.load %arg5[%get3A, %get3A_12, %get3A_13] : memref<1x1x512xi32, #tpu.memory_space<smem>>
      %get3A_15 = arith.constant 0 : index
      %get3A_16 = arith.constant 0 : index
      %get3A_17 = arith.index_cast %scan3A_11 : i32 to index
      %get3A_18 = memref.load %arg6[%get3A_15, %get3A_16, %get3A_17] : memref<1x1x512xi32, #tpu.memory_space<smem>>
      %get3A_19 = arith.constant 0 : index
      %get3A_20 = arith.constant 0 : index
      %get3A_21 = arith.index_cast %scan3A_11 : i32 to index
      %get3A_22 = memref.load %arg7[%get3A_19, %get3A_20, %get3A_21] : memref<1x1x512xi32, #tpu.memory_space<smem>>
      %get3A_23 = arith.constant 0 : index
      %get3A_24 = arith.constant 0 : index
      %get3A_25 = arith.index_cast %scan3A_11 : i32 to index
      %get3A_26 = memref.load %arg8[%get3A_23, %get3A_24, %get3A_25] : memref<1x1x512xf32, #tpu.memory_space<smem>>
      %get3A_27 = arith.index_cast %get3A_18 : i32 to index
      %get3A_28 = arith.constant 0 : index
      %get3A_29 = vector.load %arg4[%get3A_27, %get3A_28] : memref<10000x128xf32, #tpu.memory_space<vmem>>, vector<1x128xf32>
      %eq3A_30 = vector.broadcast %get3A_22 : i32 to vector<1x128xi32>
      %eq3A_31 = arith.cmpi eq, %iota3A, %eq3A_30 : vector<1x128xi32>
      %jit3A = arith.constant 0.000000e+00 : f32
      %broadcast_in_dim3A = vector.broadcast %jit3A : f32 to vector<1x128xf32>
      %select_n3A = arith.select %eq3A_31, %get3A_29, %broadcast_in_dim3A : vector<1x128xi1>, vector<1x128xf32>
      %reduce_sum3A = vector.shape_cast %select_n3A : vector<1x128xf32> to vector<1x1x128xf32>
      %reduce_sum3A_32 = arith.constant dense<0.000000e+00> : vector<1xf32>
      %reduce_sum3A_33 = vector.multi_reduction <add>, %reduce_sum3A, %reduce_sum3A_32 [1, 2] : vector<1x1x128xf32> to vector<1xf32>
      %reduce_sum3A_34 = vector.shape_cast %reduce_sum3A_33 : vector<1xf32> to vector<1x1x1xf32>
      %reduce_sum3A_35 = vector.extract %reduce_sum3A_34[0, 0, 0] : f32 from vector<1x1x1xf32>
      %max3A = arith.constant 1.000000e+00 : f32
      %max3A_36 = arith.maximumf %reduce_sum3A_35, %max3A : f32
      %div3A = arith.divf %get3A_26, %max3A_36 : f32
      %get3A_37 = arith.index_cast %get3A_18 : i32 to index
      %get3A_38 = arith.constant 0 : index
      %get3A_39 = vector.load %arg9[%get3A_37, %get3A_38] : memref<10000x256xf32, #tpu.memory_space<vmem>>, vector<1x256xf32>
      %get3A_40 = arith.constant 0 : index
      %get3A_41 = arith.index_cast %get3A_14 : i32 to index
      %get3A_42 = arith.constant 0 : index
      %get3A_43 = vector.load %arg2[%get3A_40, %get3A_41, %get3A_42] : memref<1x10000x256xf32, #tpu.memory_space<vmem>>, vector<1x1x256xf32>
      %get3A_44 = vector.shape_cast %get3A_43 : vector<1x1x256xf32> to vector<1x256xf32>
      %mul3A = vector.broadcast %div3A : f32 to vector<1x256xf32>
      %mul3A_45 = arith.mulf %get3A_44, %mul3A : vector<1x256xf32>
      %add3A = arith.addf %get3A_39, %mul3A_45 : vector<1x256xf32>
      %swap3A = arith.index_cast %get3A_18 : i32 to index
      %swap3A_46 = arith.constant 0 : index
      %swap3A_47 = vector.load %arg9[%swap3A, %swap3A_46] : memref<10000x256xf32, #tpu.memory_space<vmem>>, vector<1x256xf32>
      tpu.vector_store %arg9[%swap3A, %swap3A_46], %add3A {strides = array<i32>} : memref<10000x256xf32, #tpu.memory_space<vmem>>, vector<1x256xf32>,
    }
    %scan3A_5 = arith.constant 512 : i32
    %eq3A_6 = arith.constant 320 : i32
    %eq3A_7 = arith.cmpi eq, %arg0, %eq3A_6 : i32
    %convert_element_type3A_8 = arith.extui %eq3A_7 : i1 to i32
    %cond3A_9 = arith.constant 0 : i32
    %cond3A_10 = arith.cmpi ne, %convert_element_type3A_8, %cond3A_9 : i32
    scf.if %cond3A_10 {
      %get3A = arith.constant 0 : index
      %get3A_11 = arith.constant 0 : index
      %get3A_12 = vector.load %arg9[%get3A, %get3A_11] : memref<10000x256xf32, #tpu.memory_space<vmem>>, vector<10000x256xf32>
      %max3A = arith.constant 0.000000e+00 : f32
      %max3A_13 = vector.broadcast %max3A : f32 to vector<10000x256xf32>
      %max3A_14 = arith.maximumf %get3A_12, %max3A_13 : vector<10000x256xf32>
      %swap3A = arith.constant 0 : index
      %swap3A_15 = arith.constant 0 : index
      %swap3A_16 = vector.load %arg9[%swap3A, %swap3A_15] : memref<10000x256xf32, #tpu.memory_space<vmem>>, vector<10000x256xf32>
      tpu.vector_store %arg9[%swap3A, %swap3A_15], %max3A_14 {strides = array<i32>} : memref<10000x256xf32, #tpu.memory_space<vmem>>, vector<10000x256xf32>,
    } else {
    }
    return
  }
  func.func @transform_0(%arg0: i32, %arg1: memref<321xi32, #tpu.memory_space<smem>>) -> (i32, i32, i32) {
    %get3A = arith.index_cast %arg0 : i32 to index
    %get3A_0 = memref.load %arg1[%get3A] : memref<321xi32, #tpu.memory_space<smem>>
    %c0_i32 = arith.constant 0 : i32
    %c0_i32_1 = arith.constant 0 : i32
    %c0_i32_2 = arith.constant 0 : i32
    return %get3A_0, %c0_i32, %c0_i32_1 : i32, i32, i32
  }
  func.func @transform_1(%arg0: i32, %arg1: memref<321xi32, #tpu.memory_space<smem>>) -> (i32, i32) {
    %c0_i32 = arith.constant 0 : i32
    %c0_i32_0 = arith.constant 0 : i32
    %c0_i32_1 = arith.constant 0 : i32
    return %c0_i32, %c0_i32_0 : i32, i32
  }
  func.func @transform_2(%arg0: i32, %arg1: memref<321xi32, #tpu.memory_space<smem>>) -> (i32, i32) {
    %c0_i32 = arith.constant 0 : i32
    %c0_i32_0 = arith.constant 0 : i32
    %c0_i32_1 = arith.constant 0 : i32
    return %c0_i32, %c0_i32_0 : i32, i32
  }
  func.func @transform_3(%arg0: i32, %arg1: memref<321xi32, #tpu.memory_space<smem>>) -> (i32, i32, i32) {
    %c0_i32 = arith.constant 0 : i32
    %c0_i32_0 = arith.constant 0 : i32
    %c0_i32_1 = arith.constant 0 : i32
    return %arg0, %c0_i32, %c0_i32_0 : i32, i32, i32
  }
  func.func @transform_4(%arg0: i32, %arg1: memref<321xi32, #tpu.memory_space<smem>>) -> (i32, i32, i32) {
    %c0_i32 = arith.constant 0 : i32
    %c0_i32_0 = arith.constant 0 : i32
    %c0_i32_1 = arith.constant 0 : i32
    return %arg0, %c0_i32, %c0_i32_0 : i32, i32, i32
  }
  func.func @transform_5(%arg0: i32, %arg1: memref<321xi32, #tpu.memory_space<smem>>) -> (i32, i32, i32) {
    %c0_i32 = arith.constant 0 : i32
    %c0_i32_0 = arith.constant 0 : i32
    %c0_i32_1 = arith.constant 0 : i32
    return %arg0, %c0_i32, %c0_i32_0 : i32, i32, i32
  }
  func.func @transform_6(%arg0: i32, %arg1: memref<321xi32, #tpu.memory_space<smem>>) -> (i32, i32, i32) {
    %c0_i32 = arith.constant 0 : i32
    %c0_i32_0 = arith.constant 0 : i32
    %c0_i32_1 = arith.constant 0 : i32
    return %arg0, %c0_i32, %c0_i32_0 : i32, i32, i32
  }
  func.func @transform_7(%arg0: i32, %arg1: memref<321xi32, #tpu.memory_space<smem>>) -> (i32, i32) {
    %c0_i32 = arith.constant 0 : i32
    %c0_i32_0 = arith.constant 0 : i32
    %c0_i32_1 = arith.constant 0 : i32
    return %c0_i32, %c0_i32_0 : i32, i32
  }
}

module attributes {stable_mosaic.version = 14 : i64} {
  func.func @_pool_krn(%arg0: i32, %arg1: memref<10000x256xf32, #tpu.memory_space<vmem>>, %arg2: memref<10000x128xi32, #tpu.memory_space<vmem>>, %arg3: memref<64x256xf32, #tpu.memory_space<vmem>>) attributes {dimension_semantics = [#tpu.dimension_semantics<arbitrary>], iteration_bounds = array<i64: 64>, scalar_prefetch = 0 : i64, scratch_operands = 0 : i64, tpu.core_type = #tpu.core_type<tc>, window_params = [{pipeline_mode = #tpu.pipeline_mode<synchronous>, transform_indices = @transform_0, window_bounds = array<i64: 10000, 256>}, {pipeline_mode = #tpu.pipeline_mode<synchronous>, transform_indices = @transform_1, window_bounds = array<i64: 10000, 128>}, {pipeline_mode = #tpu.pipeline_mode<synchronous>, transform_indices = @transform_2, window_bounds = array<i64: 64, 256>}]} {
    %get3A = arith.constant 0 : index
    %get3A_0 = arith.constant 0 : index
    %get3A_1 = vector.load %arg2[%get3A, %get3A_0] : memref<10000x128xi32, #tpu.memory_space<vmem>>, vector<10000x1xi32>
    %eq3A = vector.broadcast %arg0 : i32 to vector<10000x1xi32>
    %eq3A_2 = arith.cmpi eq, %get3A_1, %eq3A : vector<10000x1xi32>
    %get3A_3 = arith.constant 0 : index
    %get3A_4 = arith.constant 0 : index
    %get3A_5 = vector.load %arg1[%get3A_3, %get3A_4] : memref<10000x256xf32, #tpu.memory_space<vmem>>, vector<10000x256xf32>
    %jit3A = arith.constant 0xFF800000 : f32
    %broadcast_in_dim3A = vector.shape_cast %eq3A_2 : vector<10000x1xi1> to vector<10000x1xi1>
    %broadcast_in_dim3A_6 = vector.broadcast %broadcast_in_dim3A : vector<10000x1xi1> to vector<10000x256xi1>
    %broadcast_in_dim3A_7 = vector.broadcast %jit3A : f32 to vector<10000x256xf32>
    %select_n3A = arith.select %broadcast_in_dim3A_6, %get3A_5, %broadcast_in_dim3A_7 : vector<10000x256xi1>, vector<10000x256xf32>
    %reduce_max3A = arith.constant dense<0xFF800000> : vector<256xf32>
    %reduce_max3A_8 = vector.multi_reduction <maximumf>, %select_n3A, %reduce_max3A [0] : vector<10000x256xf32> to vector<256xf32>
    %broadcast_in_dim3A_9 = vector.shape_cast %reduce_max3A_8 : vector<256xf32> to vector<1x256xf32>
    %swap3A = arith.index_cast %arg0 : i32 to index
    %swap3A_10 = arith.constant 0 : index
    %swap3A_11 = vector.load %arg3[%swap3A, %swap3A_10] : memref<64x256xf32, #tpu.memory_space<vmem>>, vector<1x256xf32>
    tpu.vector_store %arg3[%swap3A, %swap3A_10], %broadcast_in_dim3A_9 {strides = array<i32>} : memref<64x256xf32, #tpu.memory_space<vmem>>, vector<1x256xf32>,
    return
  }
  func.func @transform_0(%arg0: i32) -> (i32, i32) {
    %c0_i32 = arith.constant 0 : i32
    %c0_i32_0 = arith.constant 0 : i32
    %c0_i32_1 = arith.constant 0 : i32
    return %c0_i32, %c0_i32_0 : i32, i32
  }
  func.func @transform_1(%arg0: i32) -> (i32, i32) {
    %c0_i32 = arith.constant 0 : i32
    %c0_i32_0 = arith.constant 0 : i32
    %c0_i32_1 = arith.constant 0 : i32
    return %c0_i32, %c0_i32_0 : i32, i32
  }
  func.func @transform_2(%arg0: i32) -> (i32, i32) {
    %c0_i32 = arith.constant 0 : i32
    %c0_i32_0 = arith.constant 0 : i32
    %c0_i32_1 = arith.constant 0 : i32
    return %c0_i32, %c0_i32_0 : i32, i32
  }
}

</mosaic_0001>

<sc_bundles>
// kernel: gather_offload_async_start.1
scs
__scs_entry_jumppad:
0x0: {  	(pc) =	sbr.rel $0x88, $3  }
0x1: {  	(tag) =	ssettag $0x0;
	lr =	simm.s32 $0x1  }
0x2: {  	[smem:$0x3F97] =	sst lr;
	_ =	strace $0xD0000000  }
0x3: {  	_ = 	snop  }
0x4: {  	_ = 	snop  }
0x5: {  	_ = 	snop  }
0x6: {  	_ = 	snop  }
0x7: {  	_ = 	snop  }
__scs_overlays_trampoline_lowered:
0x8: {  	[smem:$0x3FA6] =	sst s0  }
0x9: {  	[smem:$0x3FA7] =	sst s1  }
0xa: {  	[smem:$0x3FA8] =	sst s2  }
0xb: {  	[smem:$0x3FA9] =	sst s3  }
0xc: {  	[smem:$0x3FAA] =	sst s4  }
0xd: {  	[smem:$0x3FAB] =	sst s5  }
0xe: {  	[smem:$0x3FAC] =	sst s6  }
0xf: {  	[smem:$0x3FAD] =	sst s7  }
0x10: {  	[smem:$0x3FAE] =	sst s8  }
0x11: {  	[smem:$0x3FAF] =	sst s9;
	s0 =	simm.s32 @!p0 $0x0  }
0x12: {  	s1 =	sld [smem:$0x3F95];
	s0 =	simm.s32 @p0 $0x1  }
0x13: {  	[smem:$0x3FB0] =	sst s0;
	s0 =	simm.s32 @!p1 $0x0  }
0x14: {  	s2 =	sld [smem:$0x3F94];
	s0 =	simm.s32 @p1 $0x1  }
0x15: {  	[smem:$0x3FB1] =	sst s0;
	s0 =	simm.s32 @!p2 $0x0  }
0x16: {  	s3 =	sld [smem:$0x3FDB];
	s0 =	simm.s32 @p2 $0x1  }
0x17: {  	s4 =	simm.s32 $0x1BF5;
	[smem:$0x3FB3] =	sst s0  }
0x18: {  	s0 =	sld [smem:$0x3F96];
	_ =	swait.ge [sflag:s4], $0x0  }
0x19: {  	s7 =	sld [smem:$0x3F97]  }
0x1a: {  	s8 =	sadd.s32 $0xFFFFE003, lr  }
0x1b: {  	s9 =	sadd.s32 $0xFFFFFEF7, lr;
	s5 =	simm.s32 $0xFFFFFFFF;
	p2 =	slt.u32 s8, $0xFFFFF086  }
0x1c: {  	p1 =	slt.u32 s9, $0xF7A;
	s5 =	simm.s32 @!p2 $0x0  }
0x1d: {  	s5 =	simm.s32 @p1 $0x1;
	p0 =	seq.s32 s7, s2  }
0x1e: {  	s7 =	smul.u32 @!p0 $0xF7A, s2;
	p2 =	seq.s32 @!p0 s5, $0x0  }
0x1f: {  	s9 =	smul.u32 $0xF7A, s1;
	s8 =	simm.s32 @!p0 $0x1BF5;
	p2 =	por !p2, p0  }
0x20: {  	[sflag:s8] =	ssyncset.s32 @!p0 $0xFFFFF086;
	s6 =	sadd.s32 @!p0 s3, s7;
	s7 =	simm.s32 @!p0 $0x108  }
0x21: {  	s3 =	sadd.s32 s3, s9;
	s6 =	sadd.s32 @!p0 $0x88, s6;
	s7 =	simm.s32 @p2 $0x1082  }
0x22: {  	[simem:s7], [sflag:s8] =	dma.local @!p0 [hbm:s6], $0xF7A  }
0x23: {  	s9 =	sor.u32 $0xD0000000, s2;
	s6 =	simm.s32 $0x108;
	_ =	swait.ge @!p0 [sflag:s8], $0x0  }
0x24: {  	s3 =	sadd.s32 $0x88, s3;
	s6 =	simm.s32 @!p1 $0x1082;
	[sflag:s4] =	ssyncset.s32 $0xFFFFF086  }
0x25: {  	[simem:s6], [sflag:s4] =	dma.local [hbm:s3], $0xF7A  }
0x26: {  	[smem:$0x3F97] =	sst s1;
	(tag) =	ssettag s2;
	_ =	strace s9  }
0x27: {  	s1 =	sld [smem:$0x3FA7]  }
0x28: {  	s2 =	sld [smem:$0x3FA8]  }
0x29: {  	s4 =	sld [smem:$0x3FAA]  }
0x2a: {  	p0 =	seq.s32 s5, $0x0;
	s5 =	sld [smem:$0x3FAB]  }
0x2b: {  	s6 =	sld [smem:$0x3FAC]  }
0x2c: {  	s7 =	sld [smem:$0x3FAD]  }
0x2d: {  	s3 =	simm.s32 $0x108;
	s8 =	sld [smem:$0x3FAE]  }
0x2e: {  	s3 =	simm.s32 @!p0 $0x1082;
	s9 =	sld [smem:$0x3FAF]  }
0x2f: {  	lr =	sadd.s32 s0, s3;
	s0 =	sld [smem:$0x3FA6]  }
0x30: {  	s3 =	sld [smem:$0x3FA9]  }
0x31: {  	[smem:$0x3FB2] =	sst s10  }
0x32: {  	s10 =	sld [smem:$0x3FB0];
	_ =	sdelay $0x3  }
0x33: {  	p0 =	seq.s32 s10, $0x1;
	s10 =	sld [smem:$0x3FB2];
	_ =	sdelay $0x3  }
0x34: {  	[smem:$0x3FB2] =	sst s10  }
0x35: {  	s10 =	sld [smem:$0x3FB1];
	_ =	sdelay $0x3  }
0x36: {  	p1 =	seq.s32 s10, $0x1;
	s10 =	sld [smem:$0x3FB2];
	_ =	sdelay $0x3  }
0x37: {  	[smem:$0x3FB2] =	sst s10  }
0x38: {  	s10 =	sld [smem:$0x3FB3]  }
0x39: {  	_ = 	snop;
	(pc) =	sbr.ind lr, $3  }
0x3a: {  	_ = 	snop  }
0x3b: {  	_ = 	snop  }
0x3c: {  	p2 =	seq.s32 s10, $0x1;
	s10 =	sld [smem:$0x3FB2]  }
0x3d: {  	_ =	shalt  }
0x3e: {  	_ =	shalt  }
0x3f: {  	_ =	shalt  }
0x40: {  	_ =	shalt  }
0x41: {  	_ =	shalt  }
0x42: {  	_ =	shalt  }
0x43: {  	_ =	shalt  }
0x44: {  	_ =	shalt  }
0x45: {  	_ =	shalt  }
0x46: {  	_ =	shalt  }
0x47: {  	_ =	shalt  }
0x48: {  	_ =	shalt  }
0x49: {  	_ =	shalt  }
0x4a: {  	_ =	shalt  }
0x4b: {  	_ =	shalt  }
0x4c: {  	_ =	shalt  }
0x4d: {  	_ =	shalt  }
0x4e: {  	_ =	shalt  }
0x4f: {  	_ =	shalt  }
0x50: {  	_ =	shalt  }
0x51: {  	_ =	shalt  }
0x52: {  	_ =	shalt  }
0x53: {  	_ =	shalt  }
0x54: {  	_ =	shalt  }
0x55: {  	_ =	shalt  }
0x56: {  	_ =	shalt  }
0x57: {  	_ =	shalt  }
0x58: {  	_ =	shalt  }
0x59: {  	_ =	shalt  }
0x5a: {  	_ =	shalt  }
0x5b: {  	_ =	shalt  }
0x5c: {  	_ =	shalt  }
0x5d: {  	_ =	shalt  }
0x5e: {  	_ =	shalt  }
0x5f: {  	_ =	shalt  }
0x60: {  	_ =	shalt  }
0x61: {  	_ =	shalt  }
0x62: {  	_ =	shalt  }
0x63: {  	_ =	shalt  }
0x64: {  	_ =	shalt  }
0x65: {  	_ =	shalt  }
0x66: {  	_ =	shalt  }
0x67: {  	_ =	shalt  }
0x68: {  	_ =	shalt  }
0x69: {  	_ =	shalt  }
0x6a: {  	_ =	shalt  }
0x6b: {  	_ =	shalt  }
0x6c: {  	_ =	shalt  }
0x6d: {  	_ =	shalt  }
0x6e: {  	_ =	shalt  }
0x6f: {  	_ =	shalt  }
0x70: {  	_ =	shalt  }
0x71: {  	_ =	shalt  }
0x72: {  	_ =	shalt  }
0x73: {  	_ =	shalt  }
0x74: {  	_ =	shalt  }
0x75: {  	_ =	shalt  }
0x76: {  	_ =	shalt  }
0x77: {  	_ =	shalt  }
0x78: {  	_ =	shalt  }
0x79: {  	_ =	shalt  }
0x7a: {  	_ =	shalt  }
0x7b: {  	_ =	shalt  }
0x7c: {  	_ =	shalt  }
0x7d: {  	_ =	shalt  }
0x7e: {  	_ =	shalt  }
0x7f: {  	_ =	shalt  }
0x80: {  	_ =	shalt  }
0x81: {  	_ =	shalt  }
0x82: {  	_ =	shalt  }
0x83: {  	_ =	shalt  }
0x84: {  	_ =	shalt  }
0x85: {  	_ =	shalt  }
0x86: {  	_ =	shalt  }
0x87: {  	_ =	shalt  }
.Lfunc_end0:
.L_simem_size_0:
called_computation.1_lowered:
.L_overlay_start_0:
0x88: {  	s2 =	sld [smem:$0x3FD9]  }
0x89: {  	s3 =	sld [smem:$0x3FFE];
	_ =	sdelay $0x1  }
0x8a: {  	s1 =	srdreg.scid  }
0x8b: {  	s0 =	sand.u32 $0x1, s1  }
0x8c: {  	s16 =	sshll.u32 s0, $0xA;
	s2 =	sadd.s32 s3, s2  }
0x8d: {  	s2 =	sadd.s32 s2, s16  }
0x8e: {  	[smem:$0x3FBE] =	sst s2  }
0x8f: {  	_ = 	snop  }
0x90: {  	(tm) =	ssettm $0x1  }
0x91: {  	s17 =	sld [smem:$0x3FFB];
	_ =	sdelay $0x3  }
0x92: {  	_ =	strace s17  }
0x93: {  	s2 =	sld [smem:$0x3FFC];
	_ =	sdelay $0x3  }
0x94: {  	_ =	strace s2  }
0x95: {  	s2 =	sld [smem:$0x3FFD];
	_ =	sdelay $0x3  }
0x96: {  	_ =	strace s2  }
0x97: {  	_ =	strace $0x8FFFFFFF  }
0x98: {  	s18 =	sld [smem:$0x3FDB];
	_ =	sdelay $0x1  }
0x99: {  	s19 =	simm.s32 $_scs_section_size  }
0x9a: {  	s4 =	simm.s32 $_size__tile_overlayer_lowered;
	s5 =	simm.s32 $_tile_overlayer_lowered  }
0x9b: {  	s22 =	simm.s32 $0x1BFF;
	s21 =	sshll.u32 s5, $0x1;
	s2 =	sadd.s32 s19, s18  }
0x9c: {  	s6 =	simm.s32 $0x0;
	s20 =	sshll.u32 s4, $0x1;
	s4 =	sadd.s32 s21, s2  }
0x9d: {  	[timem:s6], [sflag:s22] =	dma.local [hbm:s4], s20  }
0x9e: {  	_ =	swait.ge [sflag:s22], s20  }
0x9f: {  	s3 =	ssub.s32 $0x0, s20;
	[sflag:s22] =	ssyncset.done $0x0  }
0xa0: {  	[sflag:s22] =	ssyncadd.s32 s3;
	_ =	sdelay $0x1  }
0xa1: {  	s23 =	simm.s32 $0x1B8B  }
0xa2: {  	_ =	swait.ge [sflag:s23], $0x1  }
0xa3: {  	[sflag:s23] =	ssyncset.done $0x0  }
0xa4: {  	s25 =	simm.s32 $0x1B8E;
	s24 =	sld [smem:$0x3FFE];
	[sflag:s23] =	ssyncadd.s32 $0xFFFFFFFF  }
0xa5: {  	s26 =	simm.s32 $execute0_lowered;
	[smem:$0x3FD2] =	sst s25  }
0xa6: {  	s4 =	sshll.u32 s26, $0x1;
	_ =	strace $0x8000004C;
	[dreg:$0x1] =	wrdreg $0xFFFFFFFF  }
0xa7: {  	s28 =	simm.s32 $_size_execute0_lowered;
	s2 =	sadd.s32 s2, s4;
	[dreg:$0x0] =	wrdreg $0x0  }
0xa8: {  	s4 =	sshll.u32 s28, $0x1;
	[dreg:$0x2] =	wrdreg s2  }
0xa9: {  	[dreg:$0x3] =	wrdreg s4  }
0xaa: {  	[dreg:$0x4] =	wrdreg $0xC0  }
0xab: {  	_ =	task [dreg:s6], $0x5FFFF  }
0xac: {  	[dreg:$0x1] =	wrdreg $0xFFFFFFFF  }
0xad: {  	[dreg:$0x0] =	wrdreg $0x60  }
0xae: {  	[dreg:$0x2] =	wrdreg s24  }
0xaf: {  	[dreg:$0x3] =	wrdreg $0x9  }
0xb0: {  	_ =	task.clear_ibuf [dreg:s6], $0x4FFFF;
	_ =	strace $0x9000004C  }
0xb1: {  	s29 =	simm.s32 $0x9;
	_ =	strace $0x8000004E  }
0xb2: {  	_ =	swait.ge [sflag:s29], $0x1  }
0xb3: {  	[sflag:s29] =	ssyncadd.s32 $0xFFFFFFFF  }
0xb4: {  	_ =	strace $0x9000004E  }
0xb5: {  	_ =	sfence  }
0xb6: {  	s30 =	sld [smem:$0x0];
	_ =	sdelay $0x2  }
0xb7: {  	s31 =	sshll.u32 s1, $0xD;
	s1 =	sshrl.u32 s1, $0x2  }
0xb8: {  	s3 =	sand.u32 $0x4000, s31;
	s1 =	sadd.s32 s1, s30  }
0xb9: {  	s0 =	sor.u32 s3, s0;
	s1 =	sshll.u32 s1, $0x11  }
0xba: {  	s0 =	sor.u32 s1, s0  }
0xbb: {  	s0 =	sadd.s32 $0x8F2B, s0  }
0xbc: {  	[sflag:s0] =	ssyncadd.remote.s32 $0x1  }
0xbd: {  	_ =	sfence.sel $0xFFFF  }
0xbe: {  	[dreg:$0x0] =	wrdreg $0xFFFFFFFF;
	(pc) =	sbr.abs _section_cstart, $3  }
0xbf: {  	[dreg:$0x1] =	wrdreg $0xFFFFFFFF  }
0xc0: {  	_ =	task.clear_ibuf [dreg:s6], $0x2FFFF;
	_ =	strace $0x9FFFFFFF  }
0xc1: {  	(tm) =	ssettm $0x7FFFFFFF  }
tec
execute0_lowered:
.L_overlay_start_1:
0x0: {  	(tag) =	ssettag $0x1  }
0x1: {  	s8 =	rddreg [dreg:$0x0]  }
0x2: {  	s0 =	rddreg [dreg:$0x1];
	_ =	strace $0x8000004D;
	s1 =	stileid.u32  }
0x3: {  	s3 =	srdreg.scid;
	s4 =	simm.s32 $0x1;
	s7 =	simm.s32 $0x1  }
0x4: {  	s9 =	simm.s32 $0x1;
	s10 =	simm.s32 $0x3;
	s13 =	simm.s32 $0x0  }
0x5: {  	s12 =	simm.s32 $0x0;
	s5 =	sand.u32 $0x1, s3;
	s6 =	sshll.u32 s1, $0x1  }
0x6: {  	s2 =	sadd.s32 $0xA200, s8;
	s3 =	sadd.s32 $0x200, s8;
	s5 =	sor.u32 s6, s5  }
.Ltmp0:
0x7: {  	[sflag:s4] =	ssyncpa.u1 $0x0;
	p0 =	slt.u32 s5, $0x9;
	(pc) =	sbr.rel .LBB2_1-.Ltmp0, $4  }
0x8: {  	s6 =	simm.s32 $0x2;
	s7 =	simm.s32 @!p0 $0x0;
	p0 =	sne.s32 s5, $0x8  }
0x9: {  	[sflag:s6] =	ssyncpa.u1 $0x0;
	s5 =	smul.u32 $0xFA0, s5;
	s9 =	simm.s32 @!p0 $0x0  }
0xa: {  	s8 =	sadd.s32 $0x5200, s8;
	[sflag:s10] =	ssyncpa.u1 $0x0;
	s7 =	sadd.s32 s9, s7  }
0xb: {  	vm0 =	vmmov $0xffff;
	s10 =	simm.s32 $0x0;
	s11 =	smov.u32 s5;
	s9 =	sadd.s32 $0x1, s7  }
.LBB2_4:
0xc: {  	v2 =	vnsel vm1, $0x0, v2  }
0xd: {  	vm1 =	vgt.s32 v0, $0x0;
	v2 =	vmin.u32 v2, $0x270FF  }
0xe: {  	v0 =	vnsel vm1, $0x0, v0  }
0xf: {  	v0 =	vmin.u32 v0, $0x270FF  }
0x10: {  	[tilespmem:s18], [sflag:$0x1] =	stream.indirect_vreg.gather [hbm4b:s2+s10], $0x1, v1, vm0, $0x4038;
	[tilespmem:$0x3E80] =	vst v63  }
0x11: {  	(ifvalue) =	ssetifvalue $0x7FFFFFFF  }
0x12: {  	[tilespmem:s15], [sflag:$0x1] =	stream.indirect_vreg.gather [hbm4b:s2+s10], $0x1, v2, vm0, $0x4038;
	[tilespmem:$0x3E80] =	vst v63  }
0x13: {  	s29 =	sadd.s32 $0x10, s15;
	(ifvalue) =	ssetifvalue $0x7FFFFFFF  }
0x14: {  	[tilespmem:s29], [sflag:$0x1] =	stream.indirect_vreg.gather [hbm4b:s2+s10], $0x1, v0, vm0, $0x4038;
	[tilespmem:$0x3E80] =	vst v63  }
0x15: {  	_ =	swait.ge [sflag:s4], $0xFA0  }
0x16: {  	s30 =	sshrl.u32 s13, $0x3;
	[sflag:s4] =	ssyncset.done $0x0  }
0x17: {  	s31 =	sand.u32 $0x7, s13;
	s15 =	sadd.s32 s8, s30;
	[sflag:s4] =	ssyncadd.s32 $0xFFFFF060  }
0x18: {  	[hbm4b:s15+s31] =	stream.linear.scatter [tilespmem:s14], [sflag:$0x3], $0xFA0, $0x38;
	[tilespmem:$0x3E80] =	vst v63  }
.LBB2_5:
0x19: {  	s15 =	sadd.s32 $0x1F400, s11  }
0x1a: {  	p1 =	sgt.s32 s15, $0x270FF  }
0x1b: {  	s15 =	smov.u32 @p1 s5;
	p1 =	sne.s32 s12, s9  }
.Ltmp1:
0x1c: {  	p0 =	slt.u32 s12, $0x2;
	(pc) =	sbr.rel @!p1 .LBB2_6-.Ltmp1, $4  }
0x1d: {  	s14 =	simm.s32 @!p0 $0x3  }
0x1e: {  	_ =	swait.ge @!p0 [sflag:s14], $0xFA0  }
0x1f: {  	s16 =	sadd.s32 $0x1, s12;
	s13 =	smov.u32 s11;
	[sflag:s14] =	ssyncset.done @!p0 $0x0  }
0x20: {  	s12 =	smov.u32 s16;
	s11 =	smov.u32 s15;
	[sflag:s14] =	ssyncadd.s32 @!p0 $0xFFFFF060  }
.LBB2_1:
0x21: {  	p0 =	sge.u32 s12, s7  }
0x22: {  	s14 =	sxor.u32 @!p0 $0x1, s12  }
0x23: {  	s14 =	smul.u32 @!p0 $0x3E80, s14  }
0x24: {  	s31 =	sadd.s32 $0xFFFFFFFF, s12;
	s15 =	sshrl.u32 @!p0 s11, $0x3  }
0x25: {  	s16 =	sand.u32 @!p0 $0x7, s11;
	s15 =	sadd.s32 @!p0 s3, s15;
	s14 =	sshra.s32 @!p0 s14, $0x2  }
0x26: {  	[tilespmem:s14], [sflag:$0x2] =	stream.linear.gather @!p0 [hbm4b:s15+s16], $0xFA0, $0x38;
	[tilespmem:$0x3E80] =	vst v63  }
0x27: {  	p0 =	sge.u32 s31, s7  }
.Ltmp2:
0x28: {  	_ = 	snop;
	(pc) =	sbr.rel @p0 .LBB2_5-.Ltmp2, $1  }
0x29: {  	_ =	sdelay $0x3  }
0x2a: {  	s14 =	sand.u32 $0x1, s12  }
0x2b: {  	_ =	swait.ge [sflag:s6], $0xFA0;
	p0 =	seq.s32 s14, $0x1;
	s14 =	simm.s32 $0xFA0  }
0x2c: {  	[sflag:s6] =	ssyncset.done $0x0;
	s14 =	simm.s32 @!p0 $0x0  }
0x2d: {  	[sflag:s6] =	ssyncadd.s32 $0xFFFFF060;
	(ifvalue) =	ssetifvalue $0x7FFFFFFF;
	v0 =	vld.msk [tilespmem:s14+$0x0 ss:$0x1], $0xffff;
	_ =	sdelay $0x4  }
0x2e: {  	s15 =	sadd.s32 $0x10, s14;
	vm1 =	vgt.s32 v0, $0x0  }
0x2f: {  	v2 =	vld.msk [tilespmem:s15+$0x0 ss:$0x1], $0xffff;
	v1 =	vnsel vm1, $0x0, v0  }
0x30: {  	v1 =	vmin.u32 v1, $0x270FF;
	_ =	sdelay $0x2  }
0x31: {  	s17 =	simm.s32 $0x20;
	s14 =	sadd.s32 $0x1F40, s14;
	s16 =	sadd.s32 $0x10, s15  }
0x32: {  	s15 =	sadd.s32 $0x10, s14;
	s18 =	smov.u32 s14;
	v0 =	vld.msk [tilespmem:s16+$0x0 ss:$0x1], $0xffff;
	vm1 =	vgt.s32 v2, $0x0;
	(ifvalue) =	ssetifvalue $0x7FFFFFFF  }
.LBB2_3:
0x33: {  	[tilespmem:s18], [sflag:$0x1] =	stream.indirect_vreg.gather [hbm4b:s2+s10], $0x1, v1, vm0, $0x4038;
	[tilespmem:$0x3E80] =	vst v63  }
0x34: {  	s17 =	sadd.s32 $0x10, s17  }
0x35: {  	v2 =	vnsel vm1, $0x0, v2;
	p0 =	slt.u32 s17, $0xF90  }
.Ltmp3:
0x36: {  	s18 =	smov.u32 s15;
	v1 =	vmin.u32 v2, $0x270FF;
	(pc) =	sbr.rel @p0 .LBB2_3-.Ltmp3, $3  }
0x37: {  	_ =	sdelay $0x1  }
0x38: {  	s16 =	sadd.s32 $0x10, s16  }
0x39: {  	vm1 =	vgt.s32 v0, $0x0;
	s15 =	sadd.s32 $0x10, s15;
	v2 =	vmov v0;
	(ifvalue) =	ssetifvalue $0x7FFFFFFF;
	v0 =	vld.msk [tilespmem:s16+$0x0 ss:$0x1], $0xffff  }
.Ltmp4:
0x3a: {  	_ = 	snop;
	(pc) =	sbr.rel .LBB2_4-.Ltmp4, $1  }
0x3b: {  	_ =	sdelay $0x3  }
.LBB2_6:
0x3c: {  	_ =	sfence.sel $0x180000  }
0x3d: {  	s2 =	simm.s32 $0x2;
	[bflag:$0x0] =	sbarrier.arrive $0xFFFF  }
0x3e: {  	s30 =	simm.s32 $0x3;
	[sflag:s2] =	ssyncpa.u1 $0x1  }
0x3f: {  	s31 =	simm.s32 $0x1;
	[sflag:s30] =	ssyncpa.u1 $0x1  }
0x40: {  	[sflag:s31] =	ssyncpa.u1 $0x1  }
0x41: {  	p0 =	sne.s32 s1, $0x0;
	_ =	strace $0x9000004D  }
0x42: {  	s0 =	sadd.s32 @!p0 $0x100000, s0;
	[bflag:$0x2] =	sbarrier.arrive $0xFFFF  }
0x43: {  	[sflag:s0] =	ssyncadd.tile.s32 @!p0 $0x1;
	_ =	shalt  }
.Lfunc_end2:
_tile_overlayer_lowered:
.L_overlay_start_2:
0x44: {  	(tag) =	ssettag $0x2  }
0x45: {  	s0 =	rddreg [dreg:$0x0];
	s2 =	stileid.u32  }
0x46: {  	s1 =	rddreg [dreg:$0x1];
	p0 =	sne.s32 s2, $0x0  }
0x47: {  	s3 =	rddreg [dreg:$0x2];
	[bflag:$0x3] =	sbarrier.arrive $0xFFFF;
	s2 =	simm.s32 @!p0 $0x1C01  }
0x48: {  	[timem:s3], [sflag:s2] =	dma.local @!p0 [hbm:s0], s1  }
0x49: {  	s0 =	simm.s32 @!p0 $0x1  }
0x4a: {  	_ =	swait.ge @!p0 [sflag:s0], s1  }
0x4b: {  	s1 =	ssub.s32 @!p0 $0x0, s1;
	[sflag:s0] =	ssyncset.done @!p0 $0x0  }
0x4c: {  	[sflag:s0] =	ssyncadd.s32 @!p0 s1  }
0x4d: {  	[bflag:$0x3] =	sbarrier.arrive $0xFFFF  }
0x4e: {  	_ =	shalt  }

// kernel: gather_offload_async_start.2
scs
__scs_entry_jumppad:
0x0: {  	(pc) =	sbr.rel $0x88, $3  }
0x1: {  	(tag) =	ssettag $0x0;
	lr =	simm.s32 $0x1  }
0x2: {  	[smem:$0x3F97] =	sst lr;
	_ =	strace $0xD0000000  }
0x3: {  	_ = 	snop  }
0x4: {  	_ = 	snop  }
0x5: {  	_ = 	snop  }
0x6: {  	_ = 	snop  }
0x7: {  	_ = 	snop  }
__scs_overlays_trampoline_lowered:
0x8: {  	[smem:$0x3FA6] =	sst s0  }
0x9: {  	[smem:$0x3FA7] =	sst s1  }
0xa: {  	[smem:$0x3FA8] =	sst s2  }
0xb: {  	[smem:$0x3FA9] =	sst s3  }
0xc: {  	[smem:$0x3FAA] =	sst s4  }
0xd: {  	[smem:$0x3FAB] =	sst s5  }
0xe: {  	[smem:$0x3FAC] =	sst s6  }
0xf: {  	[smem:$0x3FAD] =	sst s7  }
0x10: {  	[smem:$0x3FAE] =	sst s8  }
0x11: {  	[smem:$0x3FAF] =	sst s9;
	s0 =	simm.s32 @!p0 $0x0  }
0x12: {  	s1 =	sld [smem:$0x3F95];
	s0 =	simm.s32 @p0 $0x1  }
0x13: {  	[smem:$0x3FB0] =	sst s0;
	s0 =	simm.s32 @!p1 $0x0  }
0x14: {  	s2 =	sld [smem:$0x3F94];
	s0 =	simm.s32 @p1 $0x1  }
0x15: {  	[smem:$0x3FB1] =	sst s0;
	s0 =	simm.s32 @!p2 $0x0  }
0x16: {  	s3 =	sld [smem:$0x3FDB];
	s0 =	simm.s32 @p2 $0x1  }
0x17: {  	s4 =	simm.s32 $0x1BF5;
	[smem:$0x3FB3] =	sst s0  }
0x18: {  	s0 =	sld [smem:$0x3F96];
	_ =	swait.ge [sflag:s4], $0x0  }
0x19: {  	s7 =	sld [smem:$0x3F97]  }
0x1a: {  	s8 =	sadd.s32 $0xFFFFE003, lr  }
0x1b: {  	s9 =	sadd.s32 $0xFFFFFEF7, lr;
	s5 =	simm.s32 $0xFFFFFFFF;
	p2 =	slt.u32 s8, $0xFFFFF086  }
0x1c: {  	p1 =	slt.u32 s9, $0xF7A;
	s5 =	simm.s32 @!p2 $0x0  }
0x1d: {  	s5 =	simm.s32 @p1 $0x1;
	p0 =	seq.s32 s7, s2  }
0x1e: {  	s7 =	smul.u32 @!p0 $0xF7A, s2;
	p2 =	seq.s32 @!p0 s5, $0x0  }
0x1f: {  	s9 =	smul.u32 $0xF7A, s1;
	s8 =	simm.s32 @!p0 $0x1BF5;
	p2 =	por !p2, p0  }
0x20: {  	[sflag:s8] =	ssyncset.s32 @!p0 $0xFFFFF086;
	s6 =	sadd.s32 @!p0 s3, s7;
	s7 =	simm.s32 @!p0 $0x108  }
0x21: {  	s3 =	sadd.s32 s3, s9;
	s6 =	sadd.s32 @!p0 $0x88, s6;
	s7 =	simm.s32 @p2 $0x1082  }
0x22: {  	[simem:s7], [sflag:s8] =	dma.local @!p0 [hbm:s6], $0xF7A  }
0x23: {  	s9 =	sor.u32 $0xD0000000, s2;
	s6 =	simm.s32 $0x108;
	_ =	swait.ge @!p0 [sflag:s8], $0x0  }
0x24: {  	s3 =	sadd.s32 $0x88, s3;
	s6 =	simm.s32 @!p1 $0x1082;
	[sflag:s4] =	ssyncset.s32 $0xFFFFF086  }
0x25: {  	[simem:s6], [sflag:s4] =	dma.local [hbm:s3], $0xF7A  }
0x26: {  	[smem:$0x3F97] =	sst s1;
	(tag) =	ssettag s2;
	_ =	strace s9  }
0x27: {  	s1 =	sld [smem:$0x3FA7]  }
0x28: {  	s2 =	sld [smem:$0x3FA8]  }
0x29: {  	s4 =	sld [smem:$0x3FAA]  }
0x2a: {  	p0 =	seq.s32 s5, $0x0;
	s5 =	sld [smem:$0x3FAB]  }
0x2b: {  	s6 =	sld [smem:$0x3FAC]  }
0x2c: {  	s7 =	sld [smem:$0x3FAD]  }
0x2d: {  	s3 =	simm.s32 $0x108;
	s8 =	sld [smem:$0x3FAE]  }
0x2e: {  	s3 =	simm.s32 @!p0 $0x1082;
	s9 =	sld [smem:$0x3FAF]  }
0x2f: {  	lr =	sadd.s32 s0, s3;
	s0 =	sld [smem:$0x3FA6]  }
0x30: {  	s3 =	sld [smem:$0x3FA9]  }
0x31: {  	[smem:$0x3FB2] =	sst s10  }
0x32: {  	s10 =	sld [smem:$0x3FB0];
	_ =	sdelay $0x3  }
0x33: {  	p0 =	seq.s32 s10, $0x1;
	s10 =	sld [smem:$0x3FB2];
	_ =	sdelay $0x3  }
0x34: {  	[smem:$0x3FB2] =	sst s10  }
0x35: {  	s10 =	sld [smem:$0x3FB1];
	_ =	sdelay $0x3  }
0x36: {  	p1 =	seq.s32 s10, $0x1;
	s10 =	sld [smem:$0x3FB2];
	_ =	sdelay $0x3  }
0x37: {  	[smem:$0x3FB2] =	sst s10  }
0x38: {  	s10 =	sld [smem:$0x3FB3]  }
0x39: {  	_ = 	snop;
	(pc) =	sbr.ind lr, $3  }
0x3a: {  	_ = 	snop  }
0x3b: {  	_ = 	snop  }
0x3c: {  	p2 =	seq.s32 s10, $0x1;
	s10 =	sld [smem:$0x3FB2]  }
0x3d: {  	_ =	shalt  }
0x3e: {  	_ =	shalt  }
0x3f: {  	_ =	shalt  }
0x40: {  	_ =	shalt  }
0x41: {  	_ =	shalt  }
0x42: {  	_ =	shalt  }
0x43: {  	_ =	shalt  }
0x44: {  	_ =	shalt  }
0x45: {  	_ =	shalt  }
0x46: {  	_ =	shalt  }
0x47: {  	_ =	shalt  }
0x48: {  	_ =	shalt  }
0x49: {  	_ =	shalt  }
0x4a: {  	_ =	shalt  }
0x4b: {  	_ =	shalt  }
0x4c: {  	_ =	shalt  }
0x4d: {  	_ =	shalt  }
0x4e: {  	_ =	shalt  }
0x4f: {  	_ =	shalt  }
0x50: {  	_ =	shalt  }
0x51: {  	_ =	shalt  }
0x52: {  	_ =	shalt  }
0x53: {  	_ =	shalt  }
0x54: {  	_ =	shalt  }
0x55: {  	_ =	shalt  }
0x56: {  	_ =	shalt  }
0x57: {  	_ =	shalt  }
0x58: {  	_ =	shalt  }
0x59: {  	_ =	shalt  }
0x5a: {  	_ =	shalt  }
0x5b: {  	_ =	shalt  }
0x5c: {  	_ =	shalt  }
0x5d: {  	_ =	shalt  }
0x5e: {  	_ =	shalt  }
0x5f: {  	_ =	shalt  }
0x60: {  	_ =	shalt  }
0x61: {  	_ =	shalt  }
0x62: {  	_ =	shalt  }
0x63: {  	_ =	shalt  }
0x64: {  	_ =	shalt  }
0x65: {  	_ =	shalt  }
0x66: {  	_ =	shalt  }
0x67: {  	_ =	shalt  }
0x68: {  	_ =	shalt  }
0x69: {  	_ =	shalt  }
0x6a: {  	_ =	shalt  }
0x6b: {  	_ =	shalt  }
0x6c: {  	_ =	shalt  }
0x6d: {  	_ =	shalt  }
0x6e: {  	_ =	shalt  }
0x6f: {  	_ =	shalt  }
0x70: {  	_ =	shalt  }
0x71: {  	_ =	shalt  }
0x72: {  	_ =	shalt  }
0x73: {  	_ =	shalt  }
0x74: {  	_ =	shalt  }
0x75: {  	_ =	shalt  }
0x76: {  	_ =	shalt  }
0x77: {  	_ =	shalt  }
0x78: {  	_ =	shalt  }
0x79: {  	_ =	shalt  }
0x7a: {  	_ =	shalt  }
0x7b: {  	_ =	shalt  }
0x7c: {  	_ =	shalt  }
0x7d: {  	_ =	shalt  }
0x7e: {  	_ =	shalt  }
0x7f: {  	_ =	shalt  }
0x80: {  	_ =	shalt  }
0x81: {  	_ =	shalt  }
0x82: {  	_ =	shalt  }
0x83: {  	_ =	shalt  }
0x84: {  	_ =	shalt  }
0x85: {  	_ =	shalt  }
0x86: {  	_ =	shalt  }
0x87: {  	_ =	shalt  }
.Lfunc_end0:
.L_simem_size_0:
called_computation.2_lowered:
.L_overlay_start_0:
0x88: {  	s2 =	sld [smem:$0x3FD9]  }
0x89: {  	s3 =	sld [smem:$0x3FFE];
	_ =	sdelay $0x1  }
0x8a: {  	s1 =	srdreg.scid  }
0x8b: {  	s0 =	sand.u32 $0x1, s1  }
0x8c: {  	s16 =	sshll.u32 s0, $0xA;
	s2 =	sadd.s32 s3, s2  }
0x8d: {  	s2 =	sadd.s32 s2, s16  }
0x8e: {  	[smem:$0x3FBE] =	sst s2  }
0x8f: {  	_ = 	snop  }
0x90: {  	(tm) =	ssettm $0x1  }
0x91: {  	s17 =	sld [smem:$0x3FFB];
	_ =	sdelay $0x3  }
0x92: {  	_ =	strace s17  }
0x93: {  	s2 =	sld [smem:$0x3FFC];
	_ =	sdelay $0x3  }
0x94: {  	_ =	strace s2  }
0x95: {  	s2 =	sld [smem:$0x3FFD];
	_ =	sdelay $0x3  }
0x96: {  	_ =	strace s2  }
0x97: {  	_ =	strace $0x8FFFFFFF  }
0x98: {  	s18 =	sld [smem:$0x3FDB];
	_ =	sdelay $0x1  }
0x99: {  	s19 =	simm.s32 $_scs_section_size  }
0x9a: {  	s4 =	simm.s32 $_size__tile_overlayer_lowered;
	s5 =	simm.s32 $_tile_overlayer_lowered  }
0x9b: {  	s22 =	simm.s32 $0x1BFF;
	s21 =	sshll.u32 s5, $0x1;
	s2 =	sadd.s32 s19, s18  }
0x9c: {  	s6 =	simm.s32 $0x0;
	s20 =	sshll.u32 s4, $0x1;
	s4 =	sadd.s32 s21, s2  }
0x9d: {  	[timem:s6], [sflag:s22] =	dma.local [hbm:s4], s20  }
0x9e: {  	_ =	swait.ge [sflag:s22], s20  }
0x9f: {  	s3 =	ssub.s32 $0x0, s20;
	[sflag:s22] =	ssyncset.done $0x0  }
0xa0: {  	[sflag:s22] =	ssyncadd.s32 s3;
	_ =	sdelay $0x1  }
0xa1: {  	s23 =	simm.s32 $0x1B8B  }
0xa2: {  	_ =	swait.ge [sflag:s23], $0x1  }
0xa3: {  	[sflag:s23] =	ssyncset.done $0x0  }
0xa4: {  	s25 =	simm.s32 $0x1B8E;
	s24 =	sld [smem:$0x3FFE];
	[sflag:s23] =	ssyncadd.s32 $0xFFFFFFFF  }
0xa5: {  	s26 =	simm.s32 $execute0_lowered;
	[smem:$0x3FD2] =	sst s25  }
0xa6: {  	s4 =	sshll.u32 s26, $0x1;
	_ =	strace $0x80000049;
	[dreg:$0x1] =	wrdreg $0xFFFFFFFF  }
0xa7: {  	s28 =	simm.s32 $_size_execute0_lowered;
	s2 =	sadd.s32 s2, s4;
	[dreg:$0x0] =	wrdreg $0x0  }
0xa8: {  	s4 =	sshll.u32 s28, $0x1;
	[dreg:$0x2] =	wrdreg s2  }
0xa9: {  	[dreg:$0x3] =	wrdreg s4  }
0xaa: {  	[dreg:$0x4] =	wrdreg $0xC0  }
0xab: {  	_ =	task [dreg:s6], $0x5FFFF  }
0xac: {  	[dreg:$0x1] =	wrdreg $0xFFFFFFFF  }
0xad: {  	[dreg:$0x0] =	wrdreg $0x60  }
0xae: {  	[dreg:$0x2] =	wrdreg s24  }
0xaf: {  	[dreg:$0x3] =	wrdreg $0x9  }
0xb0: {  	_ =	task.clear_ibuf [dreg:s6], $0x4FFFF;
	_ =	strace $0x90000049  }
0xb1: {  	s29 =	simm.s32 $0x9;
	_ =	strace $0x8000004B  }
0xb2: {  	_ =	swait.ge [sflag:s29], $0x1  }
0xb3: {  	[sflag:s29] =	ssyncadd.s32 $0xFFFFFFFF  }
0xb4: {  	_ =	strace $0x9000004B  }
0xb5: {  	_ =	sfence  }
0xb6: {  	s30 =	sld [smem:$0x0];
	_ =	sdelay $0x2  }
0xb7: {  	s31 =	sshll.u32 s1, $0xD;
	s1 =	sshrl.u32 s1, $0x2  }
0xb8: {  	s3 =	sand.u32 $0x4000, s31;
	s1 =	sadd.s32 s1, s30  }
0xb9: {  	s0 =	sor.u32 s3, s0;
	s1 =	sshll.u32 s1, $0x11  }
0xba: {  	s0 =	sor.u32 s1, s0  }
0xbb: {  	s0 =	sadd.s32 $0x8F2B, s0  }
0xbc: {  	[sflag:s0] =	ssyncadd.remote.s32 $0x1  }
0xbd: {  	_ =	sfence.sel $0xFFFF  }
0xbe: {  	[dreg:$0x0] =	wrdreg $0xFFFFFFFF;
	(pc) =	sbr.abs _section_cstart, $3  }
0xbf: {  	[dreg:$0x1] =	wrdreg $0xFFFFFFFF  }
0xc0: {  	_ =	task.clear_ibuf [dreg:s6], $0x2FFFF;
	_ =	strace $0x9FFFFFFF  }
0xc1: {  	(tm) =	ssettm $0x7FFFFFFF  }
tec
execute0_lowered:
.L_overlay_start_1:
0x0: {  	(tag) =	ssettag $0x1  }
0x1: {  	s8 =	rddreg [dreg:$0x0]  }
0x2: {  	s0 =	rddreg [dreg:$0x1];
	_ =	strace $0x8000004A;
	s1 =	stileid.u32  }
0x3: {  	s3 =	srdreg.scid;
	s4 =	simm.s32 $0x1;
	s7 =	simm.s32 $0x1  }
0x4: {  	s9 =	simm.s32 $0x1;
	s10 =	simm.s32 $0x3;
	s13 =	simm.s32 $0x0  }
0x5: {  	s12 =	simm.s32 $0x0;
	s5 =	sand.u32 $0x1, s3;
	s6 =	sshll.u32 s1, $0x1  }
0x6: {  	s2 =	sadd.s32 $0x5200, s8;
	s3 =	sadd.s32 $0x200, s8;
	s5 =	sor.u32 s6, s5  }
.Ltmp0:
0x7: {  	[sflag:s4] =	ssyncpa.u1 $0x0;
	p0 =	slt.u32 s5, $0x9;
	(pc) =	sbr.rel .LBB2_1-.Ltmp0, $4  }
0x8: {  	s6 =	simm.s32 $0x2;
	s7 =	simm.s32 @!p0 $0x0;
	p0 =	sne.s32 s5, $0x8  }
0x9: {  	[sflag:s6] =	ssyncpa.u1 $0x0;
	s5 =	smul.u32 $0xFA0, s5;
	s9 =	simm.s32 @!p0 $0x0  }
0xa: {  	s8 =	sadd.s32 $0x280400, s8;
	[sflag:s10] =	ssyncpa.u1 $0x0;
	s7 =	sadd.s32 s9, s7  }
0xb: {  	vm0 =	vmmov $0xffff;
	s10 =	simm.s32 $0x0;
	s11 =	smov.u32 s5;
	s9 =	sadd.s32 $0x1, s7  }
.LBB2_4:
0xc: {  	v2 =	vnsel vm1, $0x0, v2  }
0xd: {  	vm1 =	vgt.s32 v0, $0x0;
	v2 =	vmin.u32 v2, $0x270FF  }
0xe: {  	v0 =	vnsel vm1, $0x0, v0  }
0xf: {  	v0 =	vmin.u32 v0, $0x270FF  }
0x10: {  	[tilespmem:s18], [sflag:$0x1] =	stream.indirect_vreg.gather [hbm4b:s2+s10], $0x1, v1, vm0, $0x4038;
	[tilespmem:$0x3E80] =	vst v63  }
0x11: {  	(ifvalue) =	ssetifvalue $0x7FFFFFFF  }
0x12: {  	[tilespmem:s15], [sflag:$0x1] =	stream.indirect_vreg.gather [hbm4b:s2+s10], $0x1, v2, vm0, $0x4038;
	[tilespmem:$0x3E80] =	vst v63  }
0x13: {  	s29 =	sadd.s32 $0x10, s15;
	(ifvalue) =	ssetifvalue $0x7FFFFFFF  }
0x14: {  	[tilespmem:s29], [sflag:$0x1] =	stream.indirect_vreg.gather [hbm4b:s2+s10], $0x1, v0, vm0, $0x4038;
	[tilespmem:$0x3E80] =	vst v63  }
0x15: {  	_ =	swait.ge [sflag:s4], $0xFA0  }
0x16: {  	s30 =	sshrl.u32 s13, $0x3;
	[sflag:s4] =	ssyncset.done $0x0  }
0x17: {  	s31 =	sand.u32 $0x7, s13;
	s15 =	sadd.s32 s8, s30;
	[sflag:s4] =	ssyncadd.s32 $0xFFFFF060  }
0x18: {  	[hbm4b:s15+s31] =	stream.linear.scatter [tilespmem:s14], [sflag:$0x3], $0xFA0, $0x38;
	[tilespmem:$0x3E80] =	vst v63  }
.LBB2_5:
0x19: {  	s15 =	sadd.s32 $0x1F400, s11  }
0x1a: {  	p1 =	sgt.s32 s15, $0x270FF  }
0x1b: {  	s15 =	smov.u32 @p1 s5;
	p1 =	sne.s32 s12, s9  }
.Ltmp1:
0x1c: {  	p0 =	slt.u32 s12, $0x2;
	(pc) =	sbr.rel @!p1 .LBB2_6-.Ltmp1, $4  }
0x1d: {  	s14 =	simm.s32 @!p0 $0x3  }
0x1e: {  	_ =	swait.ge @!p0 [sflag:s14], $0xFA0  }
0x1f: {  	s16 =	sadd.s32 $0x1, s12;
	s13 =	smov.u32 s11;
	[sflag:s14] =	ssyncset.done @!p0 $0x0  }
0x20: {  	s12 =	smov.u32 s16;
	s11 =	smov.u32 s15;
	[sflag:s14] =	ssyncadd.s32 @!p0 $0xFFFFF060  }
.LBB2_1:
0x21: {  	p0 =	sge.u32 s12, s7  }
0x22: {  	s14 =	sxor.u32 @!p0 $0x1, s12  }
0x23: {  	s14 =	smul.u32 @!p0 $0x3E80, s14  }
0x24: {  	s31 =	sadd.s32 $0xFFFFFFFF, s12;
	s15 =	sshrl.u32 @!p0 s11, $0x3  }
0x25: {  	s16 =	sand.u32 @!p0 $0x7, s11;
	s15 =	sadd.s32 @!p0 s3, s15;
	s14 =	sshra.s32 @!p0 s14, $0x2  }
0x26: {  	[tilespmem:s14], [sflag:$0x2] =	stream.linear.gather @!p0 [hbm4b:s15+s16], $0xFA0, $0x38;
	[tilespmem:$0x3E80] =	vst v63  }
0x27: {  	p0 =	sge.u32 s31, s7  }
.Ltmp2:
0x28: {  	_ = 	snop;
	(pc) =	sbr.rel @p0 .LBB2_5-.Ltmp2, $1  }
0x29: {  	_ =	sdelay $0x3  }
0x2a: {  	s14 =	sand.u32 $0x1, s12  }
0x2b: {  	_ =	swait.ge [sflag:s6], $0xFA0;
	p0 =	seq.s32 s14, $0x1;
	s14 =	simm.s32 $0xFA0  }
0x2c: {  	[sflag:s6] =	ssyncset.done $0x0;
	s14 =	simm.s32 @!p0 $0x0  }
0x2d: {  	[sflag:s6] =	ssyncadd.s32 $0xFFFFF060;
	(ifvalue) =	ssetifvalue $0x7FFFFFFF;
	v0 =	vld.msk [tilespmem:s14+$0x0 ss:$0x1], $0xffff;
	_ =	sdelay $0x4  }
0x2e: {  	s15 =	sadd.s32 $0x10, s14;
	vm1 =	vgt.s32 v0, $0x0  }
0x2f: {  	v2 =	vld.msk [tilespmem:s15+$0x0 ss:$0x1], $0xffff;
	v1 =	vnsel vm1, $0x0, v0  }
0x30: {  	v1 =	vmin.u32 v1, $0x270FF;
	_ =	sdelay $0x2  }
0x31: {  	s17 =	simm.s32 $0x20;
	s14 =	sadd.s32 $0x1F40, s14;
	s16 =	sadd.s32 $0x10, s15  }
0x32: {  	s15 =	sadd.s32 $0x10, s14;
	s18 =	smov.u32 s14;
	v0 =	vld.msk [tilespmem:s16+$0x0 ss:$0x1], $0xffff;
	vm1 =	vgt.s32 v2, $0x0;
	(ifvalue) =	ssetifvalue $0x7FFFFFFF  }
.LBB2_3:
0x33: {  	[tilespmem:s18], [sflag:$0x1] =	stream.indirect_vreg.gather [hbm4b:s2+s10], $0x1, v1, vm0, $0x4038;
	[tilespmem:$0x3E80] =	vst v63  }
0x34: {  	s17 =	sadd.s32 $0x10, s17  }
0x35: {  	v2 =	vnsel vm1, $0x0, v2;
	p0 =	slt.u32 s17, $0xF90  }
.Ltmp3:
0x36: {  	s18 =	smov.u32 s15;
	v1 =	vmin.u32 v2, $0x270FF;
	(pc) =	sbr.rel @p0 .LBB2_3-.Ltmp3, $3  }
0x37: {  	_ =	sdelay $0x1  }
0x38: {  	s16 =	sadd.s32 $0x10, s16  }
0x39: {  	vm1 =	vgt.s32 v0, $0x0;
	s15 =	sadd.s32 $0x10, s15;
	v2 =	vmov v0;
	(ifvalue) =	ssetifvalue $0x7FFFFFFF;
	v0 =	vld.msk [tilespmem:s16+$0x0 ss:$0x1], $0xffff  }
.Ltmp4:
0x3a: {  	_ = 	snop;
	(pc) =	sbr.rel .LBB2_4-.Ltmp4, $1  }
0x3b: {  	_ =	sdelay $0x3  }
.LBB2_6:
0x3c: {  	_ =	sfence.sel $0x180000  }
0x3d: {  	s2 =	simm.s32 $0x2;
	[bflag:$0x0] =	sbarrier.arrive $0xFFFF  }
0x3e: {  	s30 =	simm.s32 $0x3;
	[sflag:s2] =	ssyncpa.u1 $0x1  }
0x3f: {  	s31 =	simm.s32 $0x1;
	[sflag:s30] =	ssyncpa.u1 $0x1  }
0x40: {  	[sflag:s31] =	ssyncpa.u1 $0x1  }
0x41: {  	p0 =	sne.s32 s1, $0x0;
	_ =	strace $0x9000004A  }
0x42: {  	s0 =	sadd.s32 @!p0 $0x100000, s0;
	[bflag:$0x2] =	sbarrier.arrive $0xFFFF  }
0x43: {  	[sflag:s0] =	ssyncadd.tile.s32 @!p0 $0x1;
	_ =	shalt  }
.Lfunc_end2:
_tile_overlayer_lowered:
.L_overlay_start_2:
0x44: {  	(tag) =	ssettag $0x2  }
0x45: {  	s0 =	rddreg [dreg:$0x0];
	s2 =	stileid.u32  }
0x46: {  	s1 =	rddreg [dreg:$0x1];
	p0 =	sne.s32 s2, $0x0  }
0x47: {  	s3 =	rddreg [dreg:$0x2];
	[bflag:$0x3] =	sbarrier.arrive $0xFFFF;
	s2 =	simm.s32 @!p0 $0x1C01  }
0x48: {  	[timem:s3], [sflag:s2] =	dma.local @!p0 [hbm:s0], s1  }
0x49: {  	s0 =	simm.s32 @!p0 $0x1  }
0x4a: {  	_ =	swait.ge @!p0 [sflag:s0], s1  }
0x4b: {  	s1 =	ssub.s32 @!p0 $0x0, s1;
	[sflag:s0] =	ssyncset.done @!p0 $0x0  }
0x4c: {  	[sflag:s0] =	ssyncadd.s32 @!p0 s1  }
0x4d: {  	[bflag:$0x3] =	sbarrier.arrive $0xFFFF  }
0x4e: {  	_ =	shalt  }

// kernel: gather_offload_async_start
scs
__scs_entry_jumppad:
0x0: {  	(pc) =	sbr.rel $0x88, $3  }
0x1: {  	(tag) =	ssettag $0x0;
	lr =	simm.s32 $0x1  }
0x2: {  	[smem:$0x3F97] =	sst lr;
	_ =	strace $0xD0000000  }
0x3: {  	_ = 	snop  }
0x4: {  	_ = 	snop  }
0x5: {  	_ = 	snop  }
0x6: {  	_ = 	snop  }
0x7: {  	_ = 	snop  }
__scs_overlays_trampoline_lowered:
0x8: {  	[smem:$0x3FA6] =	sst s0  }
0x9: {  	[smem:$0x3FA7] =	sst s1  }
0xa: {  	[smem:$0x3FA8] =	sst s2  }
0xb: {  	[smem:$0x3FA9] =	sst s3  }
0xc: {  	[smem:$0x3FAA] =	sst s4  }
0xd: {  	[smem:$0x3FAB] =	sst s5  }
0xe: {  	[smem:$0x3FAC] =	sst s6  }
0xf: {  	[smem:$0x3FAD] =	sst s7  }
0x10: {  	[smem:$0x3FAE] =	sst s8  }
0x11: {  	[smem:$0x3FAF] =	sst s9;
	s0 =	simm.s32 @!p0 $0x0  }
0x12: {  	s1 =	sld [smem:$0x3F95];
	s0 =	simm.s32 @p0 $0x1  }
0x13: {  	[smem:$0x3FB0] =	sst s0;
	s0 =	simm.s32 @!p1 $0x0  }
0x14: {  	s2 =	sld [smem:$0x3F94];
	s0 =	simm.s32 @p1 $0x1  }
0x15: {  	[smem:$0x3FB1] =	sst s0;
	s0 =	simm.s32 @!p2 $0x0  }
0x16: {  	s3 =	sld [smem:$0x3FDB];
	s0 =	simm.s32 @p2 $0x1  }
0x17: {  	s4 =	simm.s32 $0x1BF5;
	[smem:$0x3FB3] =	sst s0  }
0x18: {  	s0 =	sld [smem:$0x3F96];
	_ =	swait.ge [sflag:s4], $0x0  }
0x19: {  	s7 =	sld [smem:$0x3F97]  }
0x1a: {  	s8 =	sadd.s32 $0xFFFFE003, lr  }
0x1b: {  	s9 =	sadd.s32 $0xFFFFFEF7, lr;
	s5 =	simm.s32 $0xFFFFFFFF;
	p2 =	slt.u32 s8, $0xFFFFF086  }
0x1c: {  	p1 =	slt.u32 s9, $0xF7A;
	s5 =	simm.s32 @!p2 $0x0  }
0x1d: {  	s5 =	simm.s32 @p1 $0x1;
	p0 =	seq.s32 s7, s2  }
0x1e: {  	s7 =	smul.u32 @!p0 $0xF7A, s2;
	p2 =	seq.s32 @!p0 s5, $0x0  }
0x1f: {  	s9 =	smul.u32 $0xF7A, s1;
	s8 =	simm.s32 @!p0 $0x1BF5;
	p2 =	por !p2, p0  }
0x20: {  	[sflag:s8] =	ssyncset.s32 @!p0 $0xFFFFF086;
	s6 =	sadd.s32 @!p0 s3, s7;
	s7 =	simm.s32 @!p0 $0x108  }
0x21: {  	s3 =	sadd.s32 s3, s9;
	s6 =	sadd.s32 @!p0 $0x88, s6;
	s7 =	simm.s32 @p2 $0x1082  }
0x22: {  	[simem:s7], [sflag:s8] =	dma.local @!p0 [hbm:s6], $0xF7A  }
0x23: {  	s9 =	sor.u32 $0xD0000000, s2;
	s6 =	simm.s32 $0x108;
	_ =	swait.ge @!p0 [sflag:s8], $0x0  }
0x24: {  	s3 =	sadd.s32 $0x88, s3;
	s6 =	simm.s32 @!p1 $0x1082;
	[sflag:s4] =	ssyncset.s32 $0xFFFFF086  }
0x25: {  	[simem:s6], [sflag:s4] =	dma.local [hbm:s3], $0xF7A  }
0x26: {  	[smem:$0x3F97] =	sst s1;
	(tag) =	ssettag s2;
	_ =	strace s9  }
0x27: {  	s1 =	sld [smem:$0x3FA7]  }
0x28: {  	s2 =	sld [smem:$0x3FA8]  }
0x29: {  	s4 =	sld [smem:$0x3FAA]  }
0x2a: {  	p0 =	seq.s32 s5, $0x0;
	s5 =	sld [smem:$0x3FAB]  }
0x2b: {  	s6 =	sld [smem:$0x3FAC]  }
0x2c: {  	s7 =	sld [smem:$0x3FAD]  }
0x2d: {  	s3 =	simm.s32 $0x108;
	s8 =	sld [smem:$0x3FAE]  }
0x2e: {  	s3 =	simm.s32 @!p0 $0x1082;
	s9 =	sld [smem:$0x3FAF]  }
0x2f: {  	lr =	sadd.s32 s0, s3;
	s0 =	sld [smem:$0x3FA6]  }
0x30: {  	s3 =	sld [smem:$0x3FA9]  }
0x31: {  	[smem:$0x3FB2] =	sst s10  }
0x32: {  	s10 =	sld [smem:$0x3FB0];
	_ =	sdelay $0x3  }
0x33: {  	p0 =	seq.s32 s10, $0x1;
	s10 =	sld [smem:$0x3FB2];
	_ =	sdelay $0x3  }
0x34: {  	[smem:$0x3FB2] =	sst s10  }
0x35: {  	s10 =	sld [smem:$0x3FB1];
	_ =	sdelay $0x3  }
0x36: {  	p1 =	seq.s32 s10, $0x1;
	s10 =	sld [smem:$0x3FB2];
	_ =	sdelay $0x3  }
0x37: {  	[smem:$0x3FB2] =	sst s10  }
0x38: {  	s10 =	sld [smem:$0x3FB3]  }
0x39: {  	_ = 	snop;
	(pc) =	sbr.ind lr, $3  }
0x3a: {  	_ = 	snop  }
0x3b: {  	_ = 	snop  }
0x3c: {  	p2 =	seq.s32 s10, $0x1;
	s10 =	sld [smem:$0x3FB2]  }
0x3d: {  	_ =	shalt  }
0x3e: {  	_ =	shalt  }
0x3f: {  	_ =	shalt  }
0x40: {  	_ =	shalt  }
0x41: {  	_ =	shalt  }
0x42: {  	_ =	shalt  }
0x43: {  	_ =	shalt  }
0x44: {  	_ =	shalt  }
0x45: {  	_ =	shalt  }
0x46: {  	_ =	shalt  }
0x47: {  	_ =	shalt  }
0x48: {  	_ =	shalt  }
0x49: {  	_ =	shalt  }
0x4a: {  	_ =	shalt  }
0x4b: {  	_ =	shalt  }
0x4c: {  	_ =	shalt  }
0x4d: {  	_ =	shalt  }
0x4e: {  	_ =	shalt  }
0x4f: {  	_ =	shalt  }
0x50: {  	_ =	shalt  }
0x51: {  	_ =	shalt  }
0x52: {  	_ =	shalt  }
0x53: {  	_ =	shalt  }
0x54: {  	_ =	shalt  }
0x55: {  	_ =	shalt  }
0x56: {  	_ =	shalt  }
0x57: {  	_ =	shalt  }
0x58: {  	_ =	shalt  }
0x59: {  	_ =	shalt  }
0x5a: {  	_ =	shalt  }
0x5b: {  	_ =	shalt  }
0x5c: {  	_ =	shalt  }
0x5d: {  	_ =	shalt  }
0x5e: {  	_ =	shalt  }
0x5f: {  	_ =	shalt  }
0x60: {  	_ =	shalt  }
0x61: {  	_ =	shalt  }
0x62: {  	_ =	shalt  }
0x63: {  	_ =	shalt  }
0x64: {  	_ =	shalt  }
0x65: {  	_ =	shalt  }
0x66: {  	_ =	shalt  }
0x67: {  	_ =	shalt  }
0x68: {  	_ =	shalt  }
0x69: {  	_ =	shalt  }
0x6a: {  	_ =	shalt  }
0x6b: {  	_ =	shalt  }
0x6c: {  	_ =	shalt  }
0x6d: {  	_ =	shalt  }
0x6e: {  	_ =	shalt  }
0x6f: {  	_ =	shalt  }
0x70: {  	_ =	shalt  }
0x71: {  	_ =	shalt  }
0x72: {  	_ =	shalt  }
0x73: {  	_ =	shalt  }
0x74: {  	_ =	shalt  }
0x75: {  	_ =	shalt  }
0x76: {  	_ =	shalt  }
0x77: {  	_ =	shalt  }
0x78: {  	_ =	shalt  }
0x79: {  	_ =	shalt  }
0x7a: {  	_ =	shalt  }
0x7b: {  	_ =	shalt  }
0x7c: {  	_ =	shalt  }
0x7d: {  	_ =	shalt  }
0x7e: {  	_ =	shalt  }
0x7f: {  	_ =	shalt  }
0x80: {  	_ =	shalt  }
0x81: {  	_ =	shalt  }
0x82: {  	_ =	shalt  }
0x83: {  	_ =	shalt  }
0x84: {  	_ =	shalt  }
0x85: {  	_ =	shalt  }
0x86: {  	_ =	shalt  }
0x87: {  	_ =	shalt  }
.Lfunc_end0:
.L_simem_size_0:
called_computation_lowered:
.L_overlay_start_0:
0x88: {  	s2 =	sld [smem:$0x3FD9]  }
0x89: {  	s3 =	sld [smem:$0x3FFE];
	_ =	sdelay $0x1  }
0x8a: {  	s1 =	srdreg.scid  }
0x8b: {  	s0 =	sand.u32 $0x1, s1  }
0x8c: {  	s17 =	sshll.u32 s0, $0xA;
	s2 =	sadd.s32 s3, s2  }
0x8d: {  	s2 =	sadd.s32 s2, s17  }
0x8e: {  	[smem:$0x3FBE] =	sst s2  }
0x8f: {  	_ = 	snop  }
0x90: {  	s2 =	sld [smem:$0x3FC7];
	(tm) =	ssettm $0x1  }
0x91: {  	s18 =	sld [smem:$0x3FFB];
	_ =	sdelay $0x3  }
0x92: {  	_ =	strace s18  }
0x93: {  	s3 =	sld [smem:$0x3FFC];
	_ =	sdelay $0x3  }
0x94: {  	_ =	strace s3  }
0x95: {  	s3 =	sld [smem:$0x3FFD];
	_ =	sdelay $0x3  }
0x96: {  	_ =	strace s3  }
0x97: {  	_ =	strace $0x8FFFFFFF  }
0x98: {  	s19 =	sld [smem:$0x3FDB];
	_ =	sdelay $0x1  }
0x99: {  	s4 =	simm.s32 $_scs_section_size  }
0x9a: {  	s5 =	simm.s32 $_size__tile_overlayer_lowered;
	s6 =	simm.s32 $_tile_overlayer_lowered  }
0x9b: {  	s22 =	simm.s32 $0x1BFF;
	s21 =	sshll.u32 s6, $0x1;
	s3 =	sadd.s32 s4, s19  }
0x9c: {  	s7 =	simm.s32 $0x0;
	s20 =	sshll.u32 s5, $0x1;
	s5 =	sadd.s32 s21, s3  }
0x9d: {  	[timem:s7], [sflag:s22] =	dma.local [hbm:s5], s20  }
0x9e: {  	_ =	swait.ge [sflag:s22], s20  }
0x9f: {  	s4 =	ssub.s32 $0x0, s20;
	[sflag:s22] =	ssyncset.done $0x0  }
0xa0: {  	[sflag:s22] =	ssyncadd.s32 s4;
	_ =	sdelay $0x1  }
0xa1: {  	s23 =	simm.s32 $0x1B8B  }
0xa2: {  	_ =	swait.ge [sflag:s23], $0x1  }
0xa3: {  	[sflag:s23] =	ssyncset.done $0x0  }
0xa4: {  	s25 =	simm.s32 $0x1B8E;
	s24 =	sld [smem:$0x3FFE];
	[sflag:s23] =	ssyncadd.s32 $0xFFFFFFFF  }
0xa5: {  	s26 =	simm.s32 $execute0_lowered;
	[smem:$0x3FD2] =	sst s25  }
0xa6: {  	s5 =	sshll.u32 s26, $0x1;
	_ =	strace $0x80000046;
	[dreg:$0x1] =	wrdreg $0xFFFFFFFF  }
0xa7: {  	s28 =	simm.s32 $_size_execute0_lowered;
	s3 =	sadd.s32 s3, s5;
	[dreg:$0x0] =	wrdreg $0x0  }
0xa8: {  	s5 =	sshll.u32 s28, $0x1;
	[dreg:$0x2] =	wrdreg s3  }
0xa9: {  	[dreg:$0x3] =	wrdreg s5  }
0xaa: {  	[dreg:$0x4] =	wrdreg $0xC0  }
0xab: {  	_ =	task [dreg:s7], $0x5FFFF  }
0xac: {  	[dreg:$0x1] =	wrdreg $0xFFFFFFFF  }
0xad: {  	[dreg:$0x0] =	wrdreg $0x60  }
0xae: {  	[dreg:$0x2] =	wrdreg s2  }
0xaf: {  	[dreg:$0x3] =	wrdreg s24  }
0xb0: {  	[dreg:$0x4] =	wrdreg $0x9  }
0xb1: {  	_ =	task.clear_ibuf [dreg:s7], $0x5FFFF;
	_ =	strace $0x90000046  }
0xb2: {  	s29 =	simm.s32 $0x9;
	_ =	strace $0x80000048  }
0xb3: {  	_ =	swait.ge [sflag:s29], $0x1  }
0xb4: {  	[sflag:s29] =	ssyncadd.s32 $0xFFFFFFFF  }
0xb5: {  	_ =	strace $0x90000048  }
0xb6: {  	_ =	sfence  }
0xb7: {  	s30 =	sld [smem:$0x0];
	_ =	sdelay $0x2  }
0xb8: {  	s31 =	sshll.u32 s1, $0xD;
	s1 =	sshrl.u32 s1, $0x2  }
0xb9: {  	s3 =	sand.u32 $0x4000, s31;
	s1 =	sadd.s32 s1, s30  }
0xba: {  	s0 =	sor.u32 s3, s0;
	s1 =	sshll.u32 s1, $0x11  }
0xbb: {  	s0 =	sor.u32 s1, s0  }
0xbc: {  	s0 =	sadd.s32 $0x8F2B, s0  }
0xbd: {  	[sflag:s0] =	ssyncadd.remote.s32 $0x1  }
0xbe: {  	_ =	sfence.sel $0xFFFF  }
0xbf: {  	[dreg:$0x0] =	wrdreg $0xFFFFFFFF;
	(pc) =	sbr.abs _section_cstart, $3  }
0xc0: {  	[dreg:$0x1] =	wrdreg $0xFFFFFFFF  }
0xc1: {  	_ =	task.clear_ibuf [dreg:s7], $0x2FFFF;
	_ =	strace $0x9FFFFFFF  }
0xc2: {  	(tm) =	ssettm $0x7FFFFFFF  }
0xc3: {  	_ =	shalt  }
tec
execute0_lowered:
.L_overlay_start_1:
0x0: {  	(tag) =	ssettag $0x1  }
0x1: {  	s2 =	rddreg [dreg:$0x0]  }
0x2: {  	s8 =	rddreg [dreg:$0x1]  }
0x3: {  	s0 =	rddreg [dreg:$0x2];
	s1 =	stileid.u32  }
0x4: {  	s3 =	srdreg.scid;
	_ =	strace $0x80000047;
	s4 =	simm.s32 $0x1  }
0x5: {  	s7 =	simm.s32 $0x1;
	s9 =	simm.s32 $0x1;
	s10 =	simm.s32 $0x3  }
0x6: {  	s13 =	simm.s32 $0x0;
	s5 =	sand.u32 $0x1, s3;
	s6 =	sshll.u32 s1, $0x1  }
0x7: {  	s12 =	simm.s32 $0x0;
	s3 =	sadd.s32 $0x200, s8;
	s5 =	sor.u32 s6, s5  }
.Ltmp0:
0x8: {  	[sflag:s4] =	ssyncpa.u1 $0x0;
	p0 =	slt.u32 s5, $0x9;
	(pc) =	sbr.rel .LBB2_1-.Ltmp0, $4  }
0x9: {  	s6 =	simm.s32 $0x2;
	s7 =	simm.s32 @!p0 $0x0;
	p0 =	sne.s32 s5, $0x8  }
0xa: {  	[sflag:s6] =	ssyncpa.u1 $0x0;
	s5 =	smul.u32 $0xFA0, s5;
	s9 =	simm.s32 @!p0 $0x0  }
0xb: {  	s8 =	sadd.s32 $0x280400, s8;
	[sflag:s10] =	ssyncpa.u1 $0x0;
	s7 =	sadd.s32 s9, s7  }
0xc: {  	vm0 =	vmmov $0xffff;
	s10 =	simm.s32 $0x0;
	s11 =	smov.u32 s5;
	s9 =	sadd.s32 $0x1, s7  }
.LBB2_4:
0xd: {  	v2 =	vnsel vm1, $0x0, v2  }
0xe: {  	vm1 =	vgt.s32 v0, $0x0;
	v2 =	vmin.u32 v2, $0x270FF  }
0xf: {  	v0 =	vnsel vm1, $0x0, v0  }
0x10: {  	v0 =	vmin.u32 v0, $0x270FF  }
0x11: {  	[tilespmem:s18], [sflag:$0x1] =	stream.indirect_vreg.gather [hbm4b:s2+s10], $0x1, v1, vm0, $0x4038;
	[tilespmem:$0x3E80] =	vst v63  }
0x12: {  	(ifvalue) =	ssetifvalue $0x7FFFFFFF  }
0x13: {  	[tilespmem:s15], [sflag:$0x1] =	stream.indirect_vreg.gather [hbm4b:s2+s10], $0x1, v2, vm0, $0x4038;
	[tilespmem:$0x3E80] =	vst v63  }
0x14: {  	s29 =	sadd.s32 $0x10, s15;
	(ifvalue) =	ssetifvalue $0x7FFFFFFF  }
0x15: {  	[tilespmem:s29], [sflag:$0x1] =	stream.indirect_vreg.gather [hbm4b:s2+s10], $0x1, v0, vm0, $0x4038;
	[tilespmem:$0x3E80] =	vst v63  }
0x16: {  	_ =	swait.ge [sflag:s4], $0xFA0  }
0x17: {  	s30 =	sshrl.u32 s13, $0x3;
	[sflag:s4] =	ssyncset.done $0x0  }
0x18: {  	s31 =	sand.u32 $0x7, s13;
	s15 =	sadd.s32 s8, s30;
	[sflag:s4] =	ssyncadd.s32 $0xFFFFF060  }
0x19: {  	[hbm4b:s15+s31] =	stream.linear.scatter [tilespmem:s14], [sflag:$0x3], $0xFA0, $0x38;
	[tilespmem:$0x3E80] =	vst v63  }
.LBB2_5:
0x1a: {  	s15 =	sadd.s32 $0x1F400, s11  }
0x1b: {  	p1 =	sgt.s32 s15, $0x270FF  }
0x1c: {  	s15 =	smov.u32 @p1 s5;
	p1 =	sne.s32 s12, s9  }
.Ltmp1:
0x1d: {  	p0 =	slt.u32 s12, $0x2;
	(pc) =	sbr.rel @!p1 .LBB2_6-.Ltmp1, $4  }
0x1e: {  	s14 =	simm.s32 @!p0 $0x3  }
0x1f: {  	_ =	swait.ge @!p0 [sflag:s14], $0xFA0  }
0x20: {  	s16 =	sadd.s32 $0x1, s12;
	s13 =	smov.u32 s11;
	[sflag:s14] =	ssyncset.done @!p0 $0x0  }
0x21: {  	s12 =	smov.u32 s16;
	s11 =	smov.u32 s15;
	[sflag:s14] =	ssyncadd.s32 @!p0 $0xFFFFF060  }
.LBB2_1:
0x22: {  	p0 =	sge.u32 s12, s7  }
0x23: {  	s14 =	sxor.u32 @!p0 $0x1, s12  }
0x24: {  	s14 =	smul.u32 @!p0 $0x3E80, s14  }
0x25: {  	s31 =	sadd.s32 $0xFFFFFFFF, s12;
	s15 =	sshrl.u32 @!p0 s11, $0x3  }
0x26: {  	s16 =	sand.u32 @!p0 $0x7, s11;
	s15 =	sadd.s32 @!p0 s3, s15;
	s14 =	sshra.s32 @!p0 s14, $0x2  }
0x27: {  	[tilespmem:s14], [sflag:$0x2] =	stream.linear.gather @!p0 [hbm4b:s15+s16], $0xFA0, $0x38;
	[tilespmem:$0x3E80] =	vst v63  }
0x28: {  	p0 =	sge.u32 s31, s7  }
.Ltmp2:
0x29: {  	_ = 	snop;
	(pc) =	sbr.rel @p0 .LBB2_5-.Ltmp2, $1  }
0x2a: {  	_ =	sdelay $0x3  }
0x2b: {  	s14 =	sand.u32 $0x1, s12  }
0x2c: {  	_ =	swait.ge [sflag:s6], $0xFA0;
	p0 =	seq.s32 s14, $0x1;
	s14 =	simm.s32 $0xFA0  }
0x2d: {  	[sflag:s6] =	ssyncset.done $0x0;
	s14 =	simm.s32 @!p0 $0x0  }
0x2e: {  	[sflag:s6] =	ssyncadd.s32 $0xFFFFF060;
	(ifvalue) =	ssetifvalue $0x7FFFFFFF;
	v0 =	vld.msk [tilespmem:s14+$0x0 ss:$0x1], $0xffff;
	_ =	sdelay $0x4  }
0x2f: {  	s15 =	sadd.s32 $0x10, s14;
	vm1 =	vgt.s32 v0, $0x0  }
0x30: {  	v2 =	vld.msk [tilespmem:s15+$0x0 ss:$0x1], $0xffff;
	v1 =	vnsel vm1, $0x0, v0  }
0x31: {  	v1 =	vmin.u32 v1, $0x270FF;
	_ =	sdelay $0x2  }
0x32: {  	s17 =	simm.s32 $0x20;
	s14 =	sadd.s32 $0x1F40, s14;
	s16 =	sadd.s32 $0x10, s15  }
0x33: {  	s15 =	sadd.s32 $0x10, s14;
	s18 =	smov.u32 s14;
	v0 =	vld.msk [tilespmem:s16+$0x0 ss:$0x1], $0xffff;
	vm1 =	vgt.s32 v2, $0x0;
	(ifvalue) =	ssetifvalue $0x7FFFFFFF  }
.LBB2_3:
0x34: {  	[tilespmem:s18], [sflag:$0x1] =	stream.indirect_vreg.gather [hbm4b:s2+s10], $0x1, v1, vm0, $0x4038;
	[tilespmem:$0x3E80] =	vst v63  }
0x35: {  	s17 =	sadd.s32 $0x10, s17  }
0x36: {  	v2 =	vnsel vm1, $0x0, v2;
	p0 =	slt.u32 s17, $0xF90  }
.Ltmp3:
0x37: {  	s18 =	smov.u32 s15;
	v1 =	vmin.u32 v2, $0x270FF;
	(pc) =	sbr.rel @p0 .LBB2_3-.Ltmp3, $3  }
0x38: {  	_ =	sdelay $0x1  }
0x39: {  	s16 =	sadd.s32 $0x10, s16  }
0x3a: {  	vm1 =	vgt.s32 v0, $0x0;
	s15 =	sadd.s32 $0x10, s15;
	v2 =	vmov v0;
	(ifvalue) =	ssetifvalue $0x7FFFFFFF;
	v0 =	vld.msk [tilespmem:s16+$0x0 ss:$0x1], $0xffff  }
.Ltmp4:
0x3b: {  	_ = 	snop;
	(pc) =	sbr.rel .LBB2_4-.Ltmp4, $1  }
0x3c: {  	_ =	sdelay $0x3  }
.LBB2_6:
0x3d: {  	_ =	sfence.sel $0x180000  }
0x3e: {  	s2 =	simm.s32 $0x2;
	[bflag:$0x0] =	sbarrier.arrive $0xFFFF  }
0x3f: {  	s30 =	simm.s32 $0x3;
	[sflag:s2] =	ssyncpa.u1 $0x1  }
0x40: {  	s31 =	simm.s32 $0x1;
	[sflag:s30] =	ssyncpa.u1 $0x1  }
0x41: {  	[sflag:s31] =	ssyncpa.u1 $0x1  }
0x42: {  	p0 =	sne.s32 s1, $0x0;
	_ =	strace $0x90000047  }
0x43: {  	s0 =	sadd.s32 @!p0 $0x100000, s0;
	[bflag:$0x2] =	sbarrier.arrive $0xFFFF  }
0x44: {  	[sflag:s0] =	ssyncadd.tile.s32 @!p0 $0x1;
	_ =	shalt  }
.Lfunc_end2:
_tile_overlayer_lowered:
.L_overlay_start_2:
0x45: {  	(tag) =	ssettag $0x2  }
0x46: {  	s0 =	rddreg [dreg:$0x0];
	s2 =	stileid.u32  }
0x47: {  	s1 =	rddreg [dreg:$0x1];
	p0 =	sne.s32 s2, $0x0  }
0x48: {  	s3 =	rddreg [dreg:$0x2];
	[bflag:$0x3] =	sbarrier.arrive $0xFFFF;
	s2 =	simm.s32 @!p0 $0x1C01  }
0x49: {  	[timem:s3], [sflag:s2] =	dma.local @!p0 [hbm:s0], s1  }
0x4a: {  	s0 =	simm.s32 @!p0 $0x1  }
0x4b: {  	_ =	swait.ge @!p0 [sflag:s0], s1  }
0x4c: {  	s1 =	ssub.s32 @!p0 $0x0, s1;
	[sflag:s0] =	ssyncset.done @!p0 $0x0  }
0x4d: {  	[sflag:s0] =	ssyncadd.s32 @!p0 s1  }
0x4e: {  	[bflag:$0x3] =	sbarrier.arrive $0xFFFF  }
0x4f: {  	_ =	shalt  }

</sc_bundles>
